<compile_context>
chip_gen: v7x
topology: tpu7x:2x2x1
jax: 0.10.2.dev20260603
libtpu: 0.0.44.dev20260713+nightly
codegen_flags: <defaults>
</compile_context>

<pallas_src>
import functools

import jax
import jax.numpy as jnp
from jax import lax
from jax.experimental import pallas as pl
from jax.experimental.pallas import tpu as pltpu
from jax.experimental.pallas import tpu_sc as plsc

V = 100000
K = 32
KC = 64
B, S = 32, 8
T = B * S
NW = 32
TPW = T // NW


def _sc_gather(x_flat, fg, cache_index, cache_p):
    mesh = plsc.VectorSubcoreMesh(core_axis_name="c", subcore_axis_name="s")

    @functools.partial(
        pl.kernel,
        mesh=mesh,
        out_type=[
            jax.ShapeDtypeStruct((T * K,), jnp.float32),
            jax.ShapeDtypeStruct((T * K,), jnp.float32),
        ],
        scratch_types=[
            pltpu.VMEM((TPW,), jnp.int32),
            pltpu.VMEM((TPW, KC), jnp.int32),
            pltpu.VMEM((TPW, KC), jnp.float32),
            pltpu.VMEM((TPW * K,), jnp.int32),
            pltpu.VMEM((TPW * K,), jnp.float32),
            pltpu.VMEM((TPW * K,), jnp.float32),
            pltpu.SemaphoreType.DMA,
        ],
        compiler_params=pltpu.CompilerParams(use_tc_tiling_on_sc=False),
    )
    def k(x_hbm, fg_hbm, ci_hbm, cp_hbm, ms_out, cp_out,
          fg_v, ci_v, cp_v, idx_v, val_v, cpo_v, sem):
        c = lax.axis_index("c")
        s = lax.axis_index("s")
        wid = s * 2 + c
        base = wid * TPW
        pltpu.sync_copy(fg_hbm.at[pl.ds(base, TPW)], fg_v)
        pltpu.async_copy(ci_hbm.at[fg_v], ci_v, sem).wait()
        pltpu.async_copy(cp_hbm.at[fg_v], cp_v, sem).wait()
        for i in range(TPW):
            tok = base + i
            for ch in range(K // 16):
                o = ch * 16
                idx_v[pl.ds(i * K + o, 16)] = ci_v[i, pl.ds(o, 16)] + tok * V
                cpo_v[pl.ds(i * K + o, 16)] = cp_v[i, pl.ds(o, 16)]
        pltpu.async_copy(x_hbm.at[idx_v], val_v, sem).wait()
        pltpu.sync_copy(val_v, ms_out.at[pl.ds(base * K, TPW * K)])
        pltpu.sync_copy(cpo_v, cp_out.at[pl.ds(base * K, TPW * K)])

    return k(x_flat, fg, cache_index, cache_p)


def _tc_loss_body(ms_ref, cp_ref, keep_ref, out_ref):
    ms = ms_ref[...]
    cp = cp_ref[...]
    keep = keep_ref[...]
    cpn = cp / jnp.sum(cp, axis=-1, keepdims=True)
    cpn = cpn * keep
    m = jnp.max(ms, axis=-1, keepdims=True)
    lse = jnp.log(jnp.sum(jnp.exp(ms - m), axis=-1, keepdims=True)) + m
    logp = ms - lse
    ent = jnp.where(cpn > 0, cpn * jnp.log(cpn), 0.0)
    out_ref[0, 0] = jnp.sum(ent - cpn * logp)


def _tc_loss(ms, cp, keep):
    return pl.pallas_call(
        _tc_loss_body,
        out_shape=jax.ShapeDtypeStruct((1, 1), jnp.float32),
        out_specs=pl.BlockSpec(memory_space=pltpu.SMEM),
    )(ms, cp, keep)


def kernel(x, gold, gold_pad_mask, cache_index, cache_p):
    fg = gold.reshape(-1).astype(jnp.int32)
    x_flat = x.reshape(-1)
    keep = (~gold_pad_mask.reshape(-1)).astype(jnp.float32)[:, None]
    ms_flat, cp_flat = _sc_gather(x_flat, fg, cache_index, cache_p)
    ms = ms_flat.reshape(T, K)
    cp = cp_flat.reshape(T, K)
    return _tc_loss(ms, cp, keep)[0, 0]

# --- scband reference (transcript-rebuilt; emitter-appended) ---
"""Pipeline reference for scband-top-cache-52192442581891 (READ-ONLY COPY).

The authoritative reference and input builder live on the scoring server;
editing this copy changes nothing except your own understanding.
"""

import jax, jax.numpy as jnp
import numpy as np

VSIZE = 100000
NUM_TOPK = 32
NUM_CACHE_TOPK = 64
P0 = 0.7
B, S = 32, 8


def setup_inputs(seed: int = 0) -> dict:
    key = jax.random.key(seed)
    k1, k2 = jax.random.split(key)
    x = jax.random.normal(k1, (B, S, VSIZE), dtype=jnp.float32)
    gold = jax.random.randint(k2, (B, S), 0, VSIZE).astype(jnp.int64)
    gold_pad_mask = jnp.zeros((B, S), dtype=bool)
    # buffers created by init_cache(vsize, num_cache_topk, p=min_gold_p, num_topk):
    # row v caches [v, v+1, ..., v+K-1] mod V with gold prob p on slot 0, uniform remainder.
    cache_index = ((jnp.arange(VSIZE, dtype=jnp.int32)[:, None] + jnp.arange(NUM_CACHE_TOPK, dtype=jnp.int32)[None, :]) % VSIZE).astype(jnp.int32)
    cache_p = jnp.concatenate([
        jnp.full((VSIZE, 1), P0, dtype=jnp.float32),
        jnp.full((VSIZE, NUM_CACHE_TOPK - 1), (1.0 - P0) / (NUM_CACHE_TOPK - 1), dtype=jnp.float32),
    ], axis=1)
    return {"x": x, "gold": gold, "gold_pad_mask": gold_pad_mask,
            "cache_index": cache_index, "cache_p": cache_p}


def reference(x, gold, gold_pad_mask, cache_index, cache_p):
    # get_loss path (T == 1.0; cache update is a non-differentiable buffer side-effect
    # that does not affect the returned loss of this call)
    fg = gold.reshape(-1)
    ci = jnp.take(cache_index, fg, axis=0)[:, :NUM_TOPK].astype(jnp.int32)
    cp = jnp.take(cache_p, fg, axis=0)[:, :NUM_TOPK]
    cp = cp / jnp.sum(cp, axis=-1, keepdims=True)  # norm_func over last dim
    tgt_shape = gold.shape + (NUM_TOPK,)
    ci = ci.reshape(tgt_shape)
    cp = cp.reshape(tgt_shape)
    cp = jnp.where(gold_pad_mask[..., None], 0.0, cp)
    ms = jnp.take_along_axis(x, ci, axis=-1)
    logp = jax.nn.log_softmax(ms, axis=-1)
    # kl_div(input=log_probs, target=cp, reduction='sum') = sum(xlogy(t, t) - t * input)
    loss = jnp.sum(jax.scipy.special.xlogy(cp, cp) - cp * logp)
    return loss

if __name__ == "__main__":
    import jax
    _d = setup_inputs()
    print(jax.jit(kernel)(*tuple(_d.values())))

</pallas_src>

<mosaic_0001>
#map = affine_map<(d0, d1) -> (0)>
#map1 = affine_map<(d0, d1) -> (0, 0)>
module attributes {stable_mosaic.version = 14 : i64} {
  func.func @k(%arg0: i32, %arg1: i32, %arg2: memref<25600000xf32, #tpu.memory_space<hbm>>, %arg3: memref<256xi32, #tpu.memory_space<hbm>>, %arg4: memref<100000x64xi32, #tpu.memory_space<hbm>>, %arg5: memref<100000x64xf32, #tpu.memory_space<hbm>>, %arg6: memref<8192xf32, #tpu.memory_space<hbm>>, %arg7: memref<8192xf32, #tpu.memory_space<hbm>>, %arg8: memref<8xi32, #tpu.memory_space<vmem>>, %arg9: memref<8x64xi32, #tpu.memory_space<vmem>>, %arg10: memref<8x64xf32, #tpu.memory_space<vmem>>, %arg11: memref<256xi32, #tpu.memory_space<vmem>>, %arg12: memref<256xf32, #tpu.memory_space<vmem>>, %arg13: memref<256xf32, #tpu.memory_space<vmem>>, %arg14: memref<!tpu.dma_semaphore, #tpu.memory_space<semaphore_mem>>) attributes {dimension_semantics = [#tpu.dimension_semantics<core_parallel>, #tpu.dimension_semantics<subcore_parallel>], iteration_bounds = array<i64: 2, 16>, scalar_prefetch = 0 : i64, scratch_operands = 7 : i64, tpu.core_type = #tpu.core_type<sc_vector_subcore>, window_params = [{transform_indices = #map}, {transform_indices = #map}, {transform_indices = #map1}, {transform_indices = #map1}, {transform_indices = #map}, {transform_indices = #map}]} {
    %mul3A = arith.constant 2 : i32
    %mul3A_0 = arith.muli %arg1, %mul3A : i32
    %add3A = arith.addi %mul3A_0, %arg0 : i32
    %mul3A_1 = arith.constant 8 : i32
    %mul3A_2 = arith.muli %add3A, %mul3A_1 : i32
    "tpu.region"() ({
      %run_scoped3A = tpu.sem_alloc : memref<!tpu.dma_semaphore, #tpu.memory_space<semaphore_mem>>
      %dma_start3A_387 = tpu.memref_slice %arg3[%mul3A_2] : memref<256xi32, #tpu.memory_space<hbm>> -> memref<8xi32, #tpu.memory_space<hbm>>
      %dma_start3A_388 = tpu.memref_slice %arg3[%mul3A_2] : memref<256xi32, #tpu.memory_space<hbm>> -> memref<8xi32, #tpu.memory_space<hbm>>
      tpu.enqueue_dma source(%dma_start3A_388 : memref<8xi32, #tpu.memory_space<hbm>>) target(%arg8 : memref<8xi32, #tpu.memory_space<vmem>>) target_semaphore(%run_scoped3A : memref<!tpu.dma_semaphore, #tpu.memory_space<semaphore_mem>>)
      %dma_wait3A_389 = tpu.memref_slice %arg3[%mul3A_2] : memref<256xi32, #tpu.memory_space<hbm>> -> memref<8xi32, #tpu.memory_space<hbm>>
      %dma_wait3A_390 = tpu.memref_slice %arg3[%mul3A_2] : memref<256xi32, #tpu.memory_space<hbm>> -> memref<8xi32, #tpu.memory_space<hbm>>
      tpu.wait_dma2 semaphore(%run_scoped3A : memref<!tpu.dma_semaphore, #tpu.memory_space<semaphore_mem>>) src(%dma_wait3A_390 : memref<8xi32, #tpu.memory_space<hbm>>) dst(%arg8 : memref<8xi32, #tpu.memory_space<vmem>>)
      tpu.yield
    }) : () -> ()
    %dma_start3A = arith.constant 0 : i32
    %dma_start3A_3 = arith.constant 0 : i32
    %dma_start3A_4 = tpu.memref_slice %arg4[%dma_start3A, %dma_start3A_3] : memref<100000x64xi32, #tpu.memory_space<hbm>> -> memref<100000x64xi32, #tpu.memory_space<hbm>>
    tpu.enqueue_indirect_dma source(%dma_start3A_4 : memref<100000x64xi32, #tpu.memory_space<hbm>>) target(%arg9 : memref<8x64xi32, #tpu.memory_space<vmem>>) offsets(%arg8 : memref<8xi32, #tpu.memory_space<vmem>>) semaphore(%arg14 : memref<!tpu.dma_semaphore, #tpu.memory_space<semaphore_mem>>)
    %dma_wait3A = arith.constant 0 : i32
    %dma_wait3A_5 = arith.constant 0 : i32
    %dma_wait3A_6 = tpu.memref_slice %arg4[%dma_wait3A, %dma_wait3A_5] : memref<100000x64xi32, #tpu.memory_space<hbm>> -> memref<100000x64xi32, #tpu.memory_space<hbm>>
    tpu.wait_indirect_dma semaphore(%arg14 : memref<!tpu.dma_semaphore, #tpu.memory_space<semaphore_mem>>) src(%dma_wait3A_6 : memref<100000x64xi32, #tpu.memory_space<hbm>>) dst(%arg9 : memref<8x64xi32, #tpu.memory_space<vmem>>)
    %dma_start3A_7 = arith.constant 0 : i32
    %dma_start3A_8 = arith.constant 0 : i32
    %dma_start3A_9 = tpu.memref_slice %arg5[%dma_start3A_7, %dma_start3A_8] : memref<100000x64xf32, #tpu.memory_space<hbm>> -> memref<100000x64xf32, #tpu.memory_space<hbm>>
    tpu.enqueue_indirect_dma source(%dma_start3A_9 : memref<100000x64xf32, #tpu.memory_space<hbm>>) target(%arg10 : memref<8x64xf32, #tpu.memory_space<vmem>>) offsets(%arg8 : memref<8xi32, #tpu.memory_space<vmem>>) semaphore(%arg14 : memref<!tpu.dma_semaphore, #tpu.memory_space<semaphore_mem>>)
    %dma_wait3A_10 = arith.constant 0 : i32
    %dma_wait3A_11 = arith.constant 0 : i32
    %dma_wait3A_12 = tpu.memref_slice %arg5[%dma_wait3A_10, %dma_wait3A_11] : memref<100000x64xf32, #tpu.memory_space<hbm>> -> memref<100000x64xf32, #tpu.memory_space<hbm>>
    tpu.wait_indirect_dma semaphore(%arg14 : memref<!tpu.dma_semaphore, #tpu.memory_space<semaphore_mem>>) src(%dma_wait3A_12 : memref<100000x64xf32, #tpu.memory_space<hbm>>) dst(%arg10 : memref<8x64xf32, #tpu.memory_space<vmem>>)
    %add3A_13 = arith.constant 0 : i32
    %add3A_14 = arith.addi %mul3A_2, %add3A_13 : i32
    %get3A = arith.constant 0 : i32
    %get3A_15 = arith.index_cast %get3A : i32 to index
    %get3A_16 = arith.constant 0 : index
    %get3A_17 = tpu.vector_load %arg9[%get3A_15, %get3A_16] {strides = array<i32>} : memref<8x64xi32, #tpu.memory_space<vmem>>, vector<1x16xi32>,
    %get3A_18 = vector.shape_cast %get3A_17 : vector<1x16xi32> to vector<16xi32>
    %mul3A_19 = arith.constant 100000 : i32
    %mul3A_20 = arith.muli %add3A_14, %mul3A_19 : i32
    %add3A_21 = vector.broadcast %mul3A_20 : i32 to vector<16xi32>
    %add3A_22 = arith.addi %get3A_18, %add3A_21 : vector<16xi32>
    %swap3A = arith.constant 0 : index
    %swap3A_23 = tpu.vector_load %arg11[%swap3A] {strides = array<i32>} : memref<256xi32, #tpu.memory_space<vmem>>, vector<16xi32>,
    %swap3A_24 = vector.shape_cast %swap3A_23 : vector<16xi32> to vector<16xi32>
    %swap3A_25 = vector.shape_cast %add3A_22 : vector<16xi32> to vector<16xi32>
    tpu.vector_store %arg11[%swap3A], %swap3A_25 {strides = array<i32>} : memref<256xi32, #tpu.memory_space<vmem>>, vector<16xi32>,
    %get3A_26 = arith.constant 0 : i32
    %get3A_27 = arith.index_cast %get3A_26 : i32 to index
    %get3A_28 = arith.constant 0 : index
    %get3A_29 = tpu.vector_load %arg10[%get3A_27, %get3A_28] {strides = array<i32>} : memref<8x64xf32, #tpu.memory_space<vmem>>, vector<1x16xf32>,
    %get3A_30 = vector.shape_cast %get3A_29 : vector<1x16xf32> to vector<16xf32>
    %swap3A_31 = arith.constant 0 : index
    %swap3A_32 = tpu.vector_load %arg13[%swap3A_31] {strides = array<i32>} : memref<256xf32, #tpu.memory_space<vmem>>, vector<16xf32>,
    %swap3A_33 = vector.shape_cast %swap3A_32 : vector<16xf32> to vector<16xf32>
    %swap3A_34 = vector.shape_cast %get3A_30 : vector<16xf32> to vector<16xf32>
    tpu.vector_store %arg13[%swap3A_31], %swap3A_34 {strides = array<i32>} : memref<256xf32, #tpu.memory_space<vmem>>, vector<16xf32>,
    %get3A_35 = arith.constant 0 : i32
    %get3A_36 = arith.index_cast %get3A_35 : i32 to index
    %get3A_37 = arith.constant 16 : index
    %get3A_38 = tpu.vector_load %arg9[%get3A_36, %get3A_37] {strides = array<i32>} : memref<8x64xi32, #tpu.memory_space<vmem>>, vector<1x16xi32>,
    %get3A_39 = vector.shape_cast %get3A_38 : vector<1x16xi32> to vector<16xi32>
    %mul3A_40 = arith.constant 100000 : i32
    %mul3A_41 = arith.muli %add3A_14, %mul3A_40 : i32
    %add3A_42 = vector.broadcast %mul3A_41 : i32 to vector<16xi32>
    %add3A_43 = arith.addi %get3A_39, %add3A_42 : vector<16xi32>
    %swap3A_44 = arith.constant 16 : index
    %swap3A_45 = tpu.vector_load %arg11[%swap3A_44] {strides = array<i32>} : memref<256xi32, #tpu.memory_space<vmem>>, vector<16xi32>,
    %swap3A_46 = vector.shape_cast %swap3A_45 : vector<16xi32> to vector<16xi32>
    %swap3A_47 = vector.shape_cast %add3A_43 : vector<16xi32> to vector<16xi32>
    tpu.vector_store %arg11[%swap3A_44], %swap3A_47 {strides = array<i32>} : memref<256xi32, #tpu.memory_space<vmem>>, vector<16xi32>,
    %get3A_48 = arith.constant 0 : i32
    %get3A_49 = arith.index_cast %get3A_48 : i32 to index
    %get3A_50 = arith.constant 16 : index
    %get3A_51 = tpu.vector_load %arg10[%get3A_49, %get3A_50] {strides = array<i32>} : memref<8x64xf32, #tpu.memory_space<vmem>>, vector<1x16xf32>,
    %get3A_52 = vector.shape_cast %get3A_51 : vector<1x16xf32> to vector<16xf32>
    %swap3A_53 = arith.constant 16 : index
    %swap3A_54 = tpu.vector_load %arg13[%swap3A_53] {strides = array<i32>} : memref<256xf32, #tpu.memory_space<vmem>>, vector<16xf32>,
    %swap3A_55 = vector.shape_cast %swap3A_54 : vector<16xf32> to vector<16xf32>
    %swap3A_56 = vector.shape_cast %get3A_52 : vector<16xf32> to vector<16xf32>
    tpu.vector_store %arg13[%swap3A_53], %swap3A_56 {strides = array<i32>} : memref<256xf32, #tpu.memory_space<vmem>>, vector<16xf32>,
    %add3A_57 = arith.constant 1 : i32
    %add3A_58 = arith.addi %mul3A_2, %add3A_57 : i32
    %get3A_59 = arith.constant 1 : i32
    %get3A_60 = arith.index_cast %get3A_59 : i32 to index
    %get3A_61 = arith.constant 0 : index
    %get3A_62 = tpu.vector_load %arg9[%get3A_60, %get3A_61] {strides = array<i32>} : memref<8x64xi32, #tpu.memory_space<vmem>>, vector<1x16xi32>,
    %get3A_63 = vector.shape_cast %get3A_62 : vector<1x16xi32> to vector<16xi32>
    %mul3A_64 = arith.constant 100000 : i32
    %mul3A_65 = arith.muli %add3A_58, %mul3A_64 : i32
    %add3A_66 = vector.broadcast %mul3A_65 : i32 to vector<16xi32>
    %add3A_67 = arith.addi %get3A_63, %add3A_66 : vector<16xi32>
    %swap3A_68 = arith.constant 32 : index
    %swap3A_69 = tpu.vector_load %arg11[%swap3A_68] {strides = array<i32>} : memref<256xi32, #tpu.memory_space<vmem>>, vector<16xi32>,
    %swap3A_70 = vector.shape_cast %swap3A_69 : vector<16xi32> to vector<16xi32>
    %swap3A_71 = vector.shape_cast %add3A_67 : vector<16xi32> to vector<16xi32>
    tpu.vector_store %arg11[%swap3A_68], %swap3A_71 {strides = array<i32>} : memref<256xi32, #tpu.memory_space<vmem>>, vector<16xi32>,
    %get3A_72 = arith.constant 1 : i32
    %get3A_73 = arith.index_cast %get3A_72 : i32 to index
    %get3A_74 = arith.constant 0 : index
    %get3A_75 = tpu.vector_load %arg10[%get3A_73, %get3A_74] {strides = array<i32>} : memref<8x64xf32, #tpu.memory_space<vmem>>, vector<1x16xf32>,
    %get3A_76 = vector.shape_cast %get3A_75 : vector<1x16xf32> to vector<16xf32>
    %swap3A_77 = arith.constant 32 : index
    %swap3A_78 = tpu.vector_load %arg13[%swap3A_77] {strides = array<i32>} : memref<256xf32, #tpu.memory_space<vmem>>, vector<16xf32>,
    %swap3A_79 = vector.shape_cast %swap3A_78 : vector<16xf32> to vector<16xf32>
    %swap3A_80 = vector.shape_cast %get3A_76 : vector<16xf32> to vector<16xf32>
    tpu.vector_store %arg13[%swap3A_77], %swap3A_80 {strides = array<i32>} : memref<256xf32, #tpu.memory_space<vmem>>, vector<16xf32>,
    %get3A_81 = arith.constant 1 : i32
    %get3A_82 = arith.index_cast %get3A_81 : i32 to index
    %get3A_83 = arith.constant 16 : index
    %get3A_84 = tpu.vector_load %arg9[%get3A_82, %get3A_83] {strides = array<i32>} : memref<8x64xi32, #tpu.memory_space<vmem>>, vector<1x16xi32>,
    %get3A_85 = vector.shape_cast %get3A_84 : vector<1x16xi32> to vector<16xi32>
    %mul3A_86 = arith.constant 100000 : i32
    %mul3A_87 = arith.muli %add3A_58, %mul3A_86 : i32
    %add3A_88 = vector.broadcast %mul3A_87 : i32 to vector<16xi32>
    %add3A_89 = arith.addi %get3A_85, %add3A_88 : vector<16xi32>
    %swap3A_90 = arith.constant 48 : index
    %swap3A_91 = tpu.vector_load %arg11[%swap3A_90] {strides = array<i32>} : memref<256xi32, #tpu.memory_space<vmem>>, vector<16xi32>,
    %swap3A_92 = vector.shape_cast %swap3A_91 : vector<16xi32> to vector<16xi32>
    %swap3A_93 = vector.shape_cast %add3A_89 : vector<16xi32> to vector<16xi32>
    tpu.vector_store %arg11[%swap3A_90], %swap3A_93 {strides = array<i32>} : memref<256xi32, #tpu.memory_space<vmem>>, vector<16xi32>,
    %get3A_94 = arith.constant 1 : i32
    %get3A_95 = arith.index_cast %get3A_94 : i32 to index
    %get3A_96 = arith.constant 16 : index
    %get3A_97 = tpu.vector_load %arg10[%get3A_95, %get3A_96] {strides = array<i32>} : memref<8x64xf32, #tpu.memory_space<vmem>>, vector<1x16xf32>,
    %get3A_98 = vector.shape_cast %get3A_97 : vector<1x16xf32> to vector<16xf32>
    %swap3A_99 = arith.constant 48 : index
    %swap3A_100 = tpu.vector_load %arg13[%swap3A_99] {strides = array<i32>} : memref<256xf32, #tpu.memory_space<vmem>>, vector<16xf32>,
    %swap3A_101 = vector.shape_cast %swap3A_100 : vector<16xf32> to vector<16xf32>
    %swap3A_102 = vector.shape_cast %get3A_98 : vector<16xf32> to vector<16xf32>
    tpu.vector_store %arg13[%swap3A_99], %swap3A_102 {strides = array<i32>} : memref<256xf32, #tpu.memory_space<vmem>>, vector<16xf32>,
    %add3A_103 = arith.constant 2 : i32
    %add3A_104 = arith.addi %mul3A_2, %add3A_103 : i32
    %get3A_105 = arith.constant 2 : i32
    %get3A_106 = arith.index_cast %get3A_105 : i32 to index
    %get3A_107 = arith.constant 0 : index
    %get3A_108 = tpu.vector_load %arg9[%get3A_106, %get3A_107] {strides = array<i32>} : memref<8x64xi32, #tpu.memory_space<vmem>>, vector<1x16xi32>,
    %get3A_109 = vector.shape_cast %get3A_108 : vector<1x16xi32> to vector<16xi32>
    %mul3A_110 = arith.constant 100000 : i32
    %mul3A_111 = arith.muli %add3A_104, %mul3A_110 : i32
    %add3A_112 = vector.broadcast %mul3A_111 : i32 to vector<16xi32>
    %add3A_113 = arith.addi %get3A_109, %add3A_112 : vector<16xi32>
    %swap3A_114 = arith.constant 64 : index
    %swap3A_115 = tpu.vector_load %arg11[%swap3A_114] {strides = array<i32>} : memref<256xi32, #tpu.memory_space<vmem>>, vector<16xi32>,
    %swap3A_116 = vector.shape_cast %swap3A_115 : vector<16xi32> to vector<16xi32>
    %swap3A_117 = vector.shape_cast %add3A_113 : vector<16xi32> to vector<16xi32>
    tpu.vector_store %arg11[%swap3A_114], %swap3A_117 {strides = array<i32>} : memref<256xi32, #tpu.memory_space<vmem>>, vector<16xi32>,
    %get3A_118 = arith.constant 2 : i32
    %get3A_119 = arith.index_cast %get3A_118 : i32 to index
    %get3A_120 = arith.constant 0 : index
    %get3A_121 = tpu.vector_load %arg10[%get3A_119, %get3A_120] {strides = array<i32>} : memref<8x64xf32, #tpu.memory_space<vmem>>, vector<1x16xf32>,
    %get3A_122 = vector.shape_cast %get3A_121 : vector<1x16xf32> to vector<16xf32>
    %swap3A_123 = arith.constant 64 : index
    %swap3A_124 = tpu.vector_load %arg13[%swap3A_123] {strides = array<i32>} : memref<256xf32, #tpu.memory_space<vmem>>, vector<16xf32>,
    %swap3A_125 = vector.shape_cast %swap3A_124 : vector<16xf32> to vector<16xf32>
    %swap3A_126 = vector.shape_cast %get3A_122 : vector<16xf32> to vector<16xf32>
    tpu.vector_store %arg13[%swap3A_123], %swap3A_126 {strides = array<i32>} : memref<256xf32, #tpu.memory_space<vmem>>, vector<16xf32>,
    %get3A_127 = arith.constant 2 : i32
    %get3A_128 = arith.index_cast %get3A_127 : i32 to index
    %get3A_129 = arith.constant 16 : index
    %get3A_130 = tpu.vector_load %arg9[%get3A_128, %get3A_129] {strides = array<i32>} : memref<8x64xi32, #tpu.memory_space<vmem>>, vector<1x16xi32>,
    %get3A_131 = vector.shape_cast %get3A_130 : vector<1x16xi32> to vector<16xi32>
    %mul3A_132 = arith.constant 100000 : i32
    %mul3A_133 = arith.muli %add3A_104, %mul3A_132 : i32
    %add3A_134 = vector.broadcast %mul3A_133 : i32 to vector<16xi32>
    %add3A_135 = arith.addi %get3A_131, %add3A_134 : vector<16xi32>
    %swap3A_136 = arith.constant 80 : index
    %swap3A_137 = tpu.vector_load %arg11[%swap3A_136] {strides = array<i32>} : memref<256xi32, #tpu.memory_space<vmem>>, vector<16xi32>,
    %swap3A_138 = vector.shape_cast %swap3A_137 : vector<16xi32> to vector<16xi32>
    %swap3A_139 = vector.shape_cast %add3A_135 : vector<16xi32> to vector<16xi32>
    tpu.vector_store %arg11[%swap3A_136], %swap3A_139 {strides = array<i32>} : memref<256xi32, #tpu.memory_space<vmem>>, vector<16xi32>,
    %get3A_140 = arith.constant 2 : i32
    %get3A_141 = arith.index_cast %get3A_140 : i32 to index
    %get3A_142 = arith.constant 16 : index
    %get3A_143 = tpu.vector_load %arg10[%get3A_141, %get3A_142] {strides = array<i32>} : memref<8x64xf32, #tpu.memory_space<vmem>>, vector<1x16xf32>,
    %get3A_144 = vector.shape_cast %get3A_143 : vector<1x16xf32> to vector<16xf32>
    %swap3A_145 = arith.constant 80 : index
    %swap3A_146 = tpu.vector_load %arg13[%swap3A_145] {strides = array<i32>} : memref<256xf32, #tpu.memory_space<vmem>>, vector<16xf32>,
    %swap3A_147 = vector.shape_cast %swap3A_146 : vector<16xf32> to vector<16xf32>
    %swap3A_148 = vector.shape_cast %get3A_144 : vector<16xf32> to vector<16xf32>
    tpu.vector_store %arg13[%swap3A_145], %swap3A_148 {strides = array<i32>} : memref<256xf32, #tpu.memory_space<vmem>>, vector<16xf32>,
    %add3A_149 = arith.constant 3 : i32
    %add3A_150 = arith.addi %mul3A_2, %add3A_149 : i32
    %get3A_151 = arith.constant 3 : i32
    %get3A_152 = arith.index_cast %get3A_151 : i32 to index
    %get3A_153 = arith.constant 0 : index
    %get3A_154 = tpu.vector_load %arg9[%get3A_152, %get3A_153] {strides = array<i32>} : memref<8x64xi32, #tpu.memory_space<vmem>>, vector<1x16xi32>,
    %get3A_155 = vector.shape_cast %get3A_154 : vector<1x16xi32> to vector<16xi32>
    %mul3A_156 = arith.constant 100000 : i32
    %mul3A_157 = arith.muli %add3A_150, %mul3A_156 : i32
    %add3A_158 = vector.broadcast %mul3A_157 : i32 to vector<16xi32>
    %add3A_159 = arith.addi %get3A_155, %add3A_158 : vector<16xi32>
    %swap3A_160 = arith.constant 96 : index
    %swap3A_161 = tpu.vector_load %arg11[%swap3A_160] {strides = array<i32>} : memref<256xi32, #tpu.memory_space<vmem>>, vector<16xi32>,
    %swap3A_162 = vector.shape_cast %swap3A_161 : vector<16xi32> to vector<16xi32>
    %swap3A_163 = vector.shape_cast %add3A_159 : vector<16xi32> to vector<16xi32>
    tpu.vector_store %arg11[%swap3A_160], %swap3A_163 {strides = array<i32>} : memref<256xi32, #tpu.memory_space<vmem>>, vector<16xi32>,
    %get3A_164 = arith.constant 3 : i32
    %get3A_165 = arith.index_cast %get3A_164 : i32 to index
    %get3A_166 = arith.constant 0 : index
    %get3A_167 = tpu.vector_load %arg10[%get3A_165, %get3A_166] {strides = array<i32>} : memref<8x64xf32, #tpu.memory_space<vmem>>, vector<1x16xf32>,
    %get3A_168 = vector.shape_cast %get3A_167 : vector<1x16xf32> to vector<16xf32>
    %swap3A_169 = arith.constant 96 : index
    %swap3A_170 = tpu.vector_load %arg13[%swap3A_169] {strides = array<i32>} : memref<256xf32, #tpu.memory_space<vmem>>, vector<16xf32>,
    %swap3A_171 = vector.shape_cast %swap3A_170 : vector<16xf32> to vector<16xf32>
    %swap3A_172 = vector.shape_cast %get3A_168 : vector<16xf32> to vector<16xf32>
    tpu.vector_store %arg13[%swap3A_169], %swap3A_172 {strides = array<i32>} : memref<256xf32, #tpu.memory_space<vmem>>, vector<16xf32>,
    %get3A_173 = arith.constant 3 : i32
    %get3A_174 = arith.index_cast %get3A_173 : i32 to index
    %get3A_175 = arith.constant 16 : index
    %get3A_176 = tpu.vector_load %arg9[%get3A_174, %get3A_175] {strides = array<i32>} : memref<8x64xi32, #tpu.memory_space<vmem>>, vector<1x16xi32>,
    %get3A_177 = vector.shape_cast %get3A_176 : vector<1x16xi32> to vector<16xi32>
    %mul3A_178 = arith.constant 100000 : i32
    %mul3A_179 = arith.muli %add3A_150, %mul3A_178 : i32
    %add3A_180 = vector.broadcast %mul3A_179 : i32 to vector<16xi32>
    %add3A_181 = arith.addi %get3A_177, %add3A_180 : vector<16xi32>
    %swap3A_182 = arith.constant 112 : index
    %swap3A_183 = tpu.vector_load %arg11[%swap3A_182] {strides = array<i32>} : memref<256xi32, #tpu.memory_space<vmem>>, vector<16xi32>,
    %swap3A_184 = vector.shape_cast %swap3A_183 : vector<16xi32> to vector<16xi32>
    %swap3A_185 = vector.shape_cast %add3A_181 : vector<16xi32> to vector<16xi32>
    tpu.vector_store %arg11[%swap3A_182], %swap3A_185 {strides = array<i32>} : memref<256xi32, #tpu.memory_space<vmem>>, vector<16xi32>,
    %get3A_186 = arith.constant 3 : i32
    %get3A_187 = arith.index_cast %get3A_186 : i32 to index
    %get3A_188 = arith.constant 16 : index
    %get3A_189 = tpu.vector_load %arg10[%get3A_187, %get3A_188] {strides = array<i32>} : memref<8x64xf32, #tpu.memory_space<vmem>>, vector<1x16xf32>,
    %get3A_190 = vector.shape_cast %get3A_189 : vector<1x16xf32> to vector<16xf32>
    %swap3A_191 = arith.constant 112 : index
    %swap3A_192 = tpu.vector_load %arg13[%swap3A_191] {strides = array<i32>} : memref<256xf32, #tpu.memory_space<vmem>>, vector<16xf32>,
    %swap3A_193 = vector.shape_cast %swap3A_192 : vector<16xf32> to vector<16xf32>
    %swap3A_194 = vector.shape_cast %get3A_190 : vector<16xf32> to vector<16xf32>
    tpu.vector_store %arg13[%swap3A_191], %swap3A_194 {strides = array<i32>} : memref<256xf32, #tpu.memory_space<vmem>>, vector<16xf32>,
    %add3A_195 = arith.constant 4 : i32
    %add3A_196 = arith.addi %mul3A_2, %add3A_195 : i32
    %get3A_197 = arith.constant 4 : i32
    %get3A_198 = arith.index_cast %get3A_197 : i32 to index
    %get3A_199 = arith.constant 0 : index
    %get3A_200 = tpu.vector_load %arg9[%get3A_198, %get3A_199] {strides = array<i32>} : memref<8x64xi32, #tpu.memory_space<vmem>>, vector<1x16xi32>,
    %get3A_201 = vector.shape_cast %get3A_200 : vector<1x16xi32> to vector<16xi32>
    %mul3A_202 = arith.constant 100000 : i32
    %mul3A_203 = arith.muli %add3A_196, %mul3A_202 : i32
    %add3A_204 = vector.broadcast %mul3A_203 : i32 to vector<16xi32>
    %add3A_205 = arith.addi %get3A_201, %add3A_204 : vector<16xi32>
    %swap3A_206 = arith.constant 128 : index
    %swap3A_207 = tpu.vector_load %arg11[%swap3A_206] {strides = array<i32>} : memref<256xi32, #tpu.memory_space<vmem>>, vector<16xi32>,
    %swap3A_208 = vector.shape_cast %swap3A_207 : vector<16xi32> to vector<16xi32>
    %swap3A_209 = vector.shape_cast %add3A_205 : vector<16xi32> to vector<16xi32>
    tpu.vector_store %arg11[%swap3A_206], %swap3A_209 {strides = array<i32>} : memref<256xi32, #tpu.memory_space<vmem>>, vector<16xi32>,
    %get3A_210 = arith.constant 4 : i32
    %get3A_211 = arith.index_cast %get3A_210 : i32 to index
    %get3A_212 = arith.constant 0 : index
    %get3A_213 = tpu.vector_load %arg10[%get3A_211, %get3A_212] {strides = array<i32>} : memref<8x64xf32, #tpu.memory_space<vmem>>, vector<1x16xf32>,
    %get3A_214 = vector.shape_cast %get3A_213 : vector<1x16xf32> to vector<16xf32>
    %swap3A_215 = arith.constant 128 : index
    %swap3A_216 = tpu.vector_load %arg13[%swap3A_215] {strides = array<i32>} : memref<256xf32, #tpu.memory_space<vmem>>, vector<16xf32>,
    %swap3A_217 = vector.shape_cast %swap3A_216 : vector<16xf32> to vector<16xf32>
    %swap3A_218 = vector.shape_cast %get3A_214 : vector<16xf32> to vector<16xf32>
    tpu.vector_store %arg13[%swap3A_215], %swap3A_218 {strides = array<i32>} : memref<256xf32, #tpu.memory_space<vmem>>, vector<16xf32>,
    %get3A_219 = arith.constant 4 : i32
    %get3A_220 = arith.index_cast %get3A_219 : i32 to index
    %get3A_221 = arith.constant 16 : index
    %get3A_222 = tpu.vector_load %arg9[%get3A_220, %get3A_221] {strides = array<i32>} : memref<8x64xi32, #tpu.memory_space<vmem>>, vector<1x16xi32>,
    %get3A_223 = vector.shape_cast %get3A_222 : vector<1x16xi32> to vector<16xi32>
    %mul3A_224 = arith.constant 100000 : i32
    %mul3A_225 = arith.muli %add3A_196, %mul3A_224 : i32
    %add3A_226 = vector.broadcast %mul3A_225 : i32 to vector<16xi32>
    %add3A_227 = arith.addi %get3A_223, %add3A_226 : vector<16xi32>
    %swap3A_228 = arith.constant 144 : index
    %swap3A_229 = tpu.vector_load %arg11[%swap3A_228] {strides = array<i32>} : memref<256xi32, #tpu.memory_space<vmem>>, vector<16xi32>,
    %swap3A_230 = vector.shape_cast %swap3A_229 : vector<16xi32> to vector<16xi32>
    %swap3A_231 = vector.shape_cast %add3A_227 : vector<16xi32> to vector<16xi32>
    tpu.vector_store %arg11[%swap3A_228], %swap3A_231 {strides = array<i32>} : memref<256xi32, #tpu.memory_space<vmem>>, vector<16xi32>,
    %get3A_232 = arith.constant 4 : i32
    %get3A_233 = arith.index_cast %get3A_232 : i32 to index
    %get3A_234 = arith.constant 16 : index
    %get3A_235 = tpu.vector_load %arg10[%get3A_233, %get3A_234] {strides = array<i32>} : memref<8x64xf32, #tpu.memory_space<vmem>>, vector<1x16xf32>,
    %get3A_236 = vector.shape_cast %get3A_235 : vector<1x16xf32> to vector<16xf32>
    %swap3A_237 = arith.constant 144 : index
    %swap3A_238 = tpu.vector_load %arg13[%swap3A_237] {strides = array<i32>} : memref<256xf32, #tpu.memory_space<vmem>>, vector<16xf32>,
    %swap3A_239 = vector.shape_cast %swap3A_238 : vector<16xf32> to vector<16xf32>
    %swap3A_240 = vector.shape_cast %get3A_236 : vector<16xf32> to vector<16xf32>
    tpu.vector_store %arg13[%swap3A_237], %swap3A_240 {strides = array<i32>} : memref<256xf32, #tpu.memory_space<vmem>>, vector<16xf32>,
    %add3A_241 = arith.constant 5 : i32
    %add3A_242 = arith.addi %mul3A_2, %add3A_241 : i32
    %get3A_243 = arith.constant 5 : i32
    %get3A_244 = arith.index_cast %get3A_243 : i32 to index
    %get3A_245 = arith.constant 0 : index
    %get3A_246 = tpu.vector_load %arg9[%get3A_244, %get3A_245] {strides = array<i32>} : memref<8x64xi32, #tpu.memory_space<vmem>>, vector<1x16xi32>,
    %get3A_247 = vector.shape_cast %get3A_246 : vector<1x16xi32> to vector<16xi32>
    %mul3A_248 = arith.constant 100000 : i32
    %mul3A_249 = arith.muli %add3A_242, %mul3A_248 : i32
    %add3A_250 = vector.broadcast %mul3A_249 : i32 to vector<16xi32>
    %add3A_251 = arith.addi %get3A_247, %add3A_250 : vector<16xi32>
    %swap3A_252 = arith.constant 160 : index
    %swap3A_253 = tpu.vector_load %arg11[%swap3A_252] {strides = array<i32>} : memref<256xi32, #tpu.memory_space<vmem>>, vector<16xi32>,
    %swap3A_254 = vector.shape_cast %swap3A_253 : vector<16xi32> to vector<16xi32>
    %swap3A_255 = vector.shape_cast %add3A_251 : vector<16xi32> to vector<16xi32>
    tpu.vector_store %arg11[%swap3A_252], %swap3A_255 {strides = array<i32>} : memref<256xi32, #tpu.memory_space<vmem>>, vector<16xi32>,
    %get3A_256 = arith.constant 5 : i32
    %get3A_257 = arith.index_cast %get3A_256 : i32 to index
    %get3A_258 = arith.constant 0 : index
    %get3A_259 = tpu.vector_load %arg10[%get3A_257, %get3A_258] {strides = array<i32>} : memref<8x64xf32, #tpu.memory_space<vmem>>, vector<1x16xf32>,
    %get3A_260 = vector.shape_cast %get3A_259 : vector<1x16xf32> to vector<16xf32>
    %swap3A_261 = arith.constant 160 : index
    %swap3A_262 = tpu.vector_load %arg13[%swap3A_261] {strides = array<i32>} : memref<256xf32, #tpu.memory_space<vmem>>, vector<16xf32>,
    %swap3A_263 = vector.shape_cast %swap3A_262 : vector<16xf32> to vector<16xf32>
    %swap3A_264 = vector.shape_cast %get3A_260 : vector<16xf32> to vector<16xf32>
    tpu.vector_store %arg13[%swap3A_261], %swap3A_264 {strides = array<i32>} : memref<256xf32, #tpu.memory_space<vmem>>, vector<16xf32>,
    %get3A_265 = arith.constant 5 : i32
    %get3A_266 = arith.index_cast %get3A_265 : i32 to index
    %get3A_267 = arith.constant 16 : index
    %get3A_268 = tpu.vector_load %arg9[%get3A_266, %get3A_267] {strides = array<i32>} : memref<8x64xi32, #tpu.memory_space<vmem>>, vector<1x16xi32>,
    %get3A_269 = vector.shape_cast %get3A_268 : vector<1x16xi32> to vector<16xi32>
    %mul3A_270 = arith.constant 100000 : i32
    %mul3A_271 = arith.muli %add3A_242, %mul3A_270 : i32
    %add3A_272 = vector.broadcast %mul3A_271 : i32 to vector<16xi32>
    %add3A_273 = arith.addi %get3A_269, %add3A_272 : vector<16xi32>
    %swap3A_274 = arith.constant 176 : index
    %swap3A_275 = tpu.vector_load %arg11[%swap3A_274] {strides = array<i32>} : memref<256xi32, #tpu.memory_space<vmem>>, vector<16xi32>,
    %swap3A_276 = vector.shape_cast %swap3A_275 : vector<16xi32> to vector<16xi32>
    %swap3A_277 = vector.shape_cast %add3A_273 : vector<16xi32> to vector<16xi32>
    tpu.vector_store %arg11[%swap3A_274], %swap3A_277 {strides = array<i32>} : memref<256xi32, #tpu.memory_space<vmem>>, vector<16xi32>,
    %get3A_278 = arith.constant 5 : i32
    %get3A_279 = arith.index_cast %get3A_278 : i32 to index
    %get3A_280 = arith.constant 16 : index
    %get3A_281 = tpu.vector_load %arg10[%get3A_279, %get3A_280] {strides = array<i32>} : memref<8x64xf32, #tpu.memory_space<vmem>>, vector<1x16xf32>,
    %get3A_282 = vector.shape_cast %get3A_281 : vector<1x16xf32> to vector<16xf32>
    %swap3A_283 = arith.constant 176 : index
    %swap3A_284 = tpu.vector_load %arg13[%swap3A_283] {strides = array<i32>} : memref<256xf32, #tpu.memory_space<vmem>>, vector<16xf32>,
    %swap3A_285 = vector.shape_cast %swap3A_284 : vector<16xf32> to vector<16xf32>
    %swap3A_286 = vector.shape_cast %get3A_282 : vector<16xf32> to vector<16xf32>
    tpu.vector_store %arg13[%swap3A_283], %swap3A_286 {strides = array<i32>} : memref<256xf32, #tpu.memory_space<vmem>>, vector<16xf32>,
    %add3A_287 = arith.constant 6 : i32
    %add3A_288 = arith.addi %mul3A_2, %add3A_287 : i32
    %get3A_289 = arith.constant 6 : i32
    %get3A_290 = arith.index_cast %get3A_289 : i32 to index
    %get3A_291 = arith.constant 0 : index
    %get3A_292 = tpu.vector_load %arg9[%get3A_290, %get3A_291] {strides = array<i32>} : memref<8x64xi32, #tpu.memory_space<vmem>>, vector<1x16xi32>,
    %get3A_293 = vector.shape_cast %get3A_292 : vector<1x16xi32> to vector<16xi32>
    %mul3A_294 = arith.constant 100000 : i32
    %mul3A_295 = arith.muli %add3A_288, %mul3A_294 : i32
    %add3A_296 = vector.broadcast %mul3A_295 : i32 to vector<16xi32>
    %add3A_297 = arith.addi %get3A_293, %add3A_296 : vector<16xi32>
    %swap3A_298 = arith.constant 192 : index
    %swap3A_299 = tpu.vector_load %arg11[%swap3A_298] {strides = array<i32>} : memref<256xi32, #tpu.memory_space<vmem>>, vector<16xi32>,
    %swap3A_300 = vector.shape_cast %swap3A_299 : vector<16xi32> to vector<16xi32>
    %swap3A_301 = vector.shape_cast %add3A_297 : vector<16xi32> to vector<16xi32>
    tpu.vector_store %arg11[%swap3A_298], %swap3A_301 {strides = array<i32>} : memref<256xi32, #tpu.memory_space<vmem>>, vector<16xi32>,
    %get3A_302 = arith.constant 6 : i32
    %get3A_303 = arith.index_cast %get3A_302 : i32 to index
    %get3A_304 = arith.constant 0 : index
    %get3A_305 = tpu.vector_load %arg10[%get3A_303, %get3A_304] {strides = array<i32>} : memref<8x64xf32, #tpu.memory_space<vmem>>, vector<1x16xf32>,
    %get3A_306 = vector.shape_cast %get3A_305 : vector<1x16xf32> to vector<16xf32>
    %swap3A_307 = arith.constant 192 : index
    %swap3A_308 = tpu.vector_load %arg13[%swap3A_307] {strides = array<i32>} : memref<256xf32, #tpu.memory_space<vmem>>, vector<16xf32>,
    %swap3A_309 = vector.shape_cast %swap3A_308 : vector<16xf32> to vector<16xf32>
    %swap3A_310 = vector.shape_cast %get3A_306 : vector<16xf32> to vector<16xf32>
    tpu.vector_store %arg13[%swap3A_307], %swap3A_310 {strides = array<i32>} : memref<256xf32, #tpu.memory_space<vmem>>, vector<16xf32>,
    %get3A_311 = arith.constant 6 : i32
    %get3A_312 = arith.index_cast %get3A_311 : i32 to index
    %get3A_313 = arith.constant 16 : index
    %get3A_314 = tpu.vector_load %arg9[%get3A_312, %get3A_313] {strides = array<i32>} : memref<8x64xi32, #tpu.memory_space<vmem>>, vector<1x16xi32>,
    %get3A_315 = vector.shape_cast %get3A_314 : vector<1x16xi32> to vector<16xi32>
    %mul3A_316 = arith.constant 100000 : i32
    %mul3A_317 = arith.muli %add3A_288, %mul3A_316 : i32
    %add3A_318 = vector.broadcast %mul3A_317 : i32 to vector<16xi32>
    %add3A_319 = arith.addi %get3A_315, %add3A_318 : vector<16xi32>
    %swap3A_320 = arith.constant 208 : index
    %swap3A_321 = tpu.vector_load %arg11[%swap3A_320] {strides = array<i32>} : memref<256xi32, #tpu.memory_space<vmem>>, vector<16xi32>,
    %swap3A_322 = vector.shape_cast %swap3A_321 : vector<16xi32> to vector<16xi32>
    %swap3A_323 = vector.shape_cast %add3A_319 : vector<16xi32> to vector<16xi32>
    tpu.vector_store %arg11[%swap3A_320], %swap3A_323 {strides = array<i32>} : memref<256xi32, #tpu.memory_space<vmem>>, vector<16xi32>,
    %get3A_324 = arith.constant 6 : i32
    %get3A_325 = arith.index_cast %get3A_324 : i32 to index
    %get3A_326 = arith.constant 16 : index
    %get3A_327 = tpu.vector_load %arg10[%get3A_325, %get3A_326] {strides = array<i32>} : memref<8x64xf32, #tpu.memory_space<vmem>>, vector<1x16xf32>,
    %get3A_328 = vector.shape_cast %get3A_327 : vector<1x16xf32> to vector<16xf32>
    %swap3A_329 = arith.constant 208 : index
    %swap3A_330 = tpu.vector_load %arg13[%swap3A_329] {strides = array<i32>} : memref<256xf32, #tpu.memory_space<vmem>>, vector<16xf32>,
    %swap3A_331 = vector.shape_cast %swap3A_330 : vector<16xf32> to vector<16xf32>
    %swap3A_332 = vector.shape_cast %get3A_328 : vector<16xf32> to vector<16xf32>
    tpu.vector_store %arg13[%swap3A_329], %swap3A_332 {strides = array<i32>} : memref<256xf32, #tpu.memory_space<vmem>>, vector<16xf32>,
    %add3A_333 = arith.constant 7 : i32
    %add3A_334 = arith.addi %mul3A_2, %add3A_333 : i32
    %get3A_335 = arith.constant 7 : i32
    %get3A_336 = arith.index_cast %get3A_335 : i32 to index
    %get3A_337 = arith.constant 0 : index
    %get3A_338 = tpu.vector_load %arg9[%get3A_336, %get3A_337] {strides = array<i32>} : memref<8x64xi32, #tpu.memory_space<vmem>>, vector<1x16xi32>,
    %get3A_339 = vector.shape_cast %get3A_338 : vector<1x16xi32> to vector<16xi32>
    %mul3A_340 = arith.constant 100000 : i32
    %mul3A_341 = arith.muli %add3A_334, %mul3A_340 : i32
    %add3A_342 = vector.broadcast %mul3A_341 : i32 to vector<16xi32>
    %add3A_343 = arith.addi %get3A_339, %add3A_342 : vector<16xi32>
    %swap3A_344 = arith.constant 224 : index
    %swap3A_345 = tpu.vector_load %arg11[%swap3A_344] {strides = array<i32>} : memref<256xi32, #tpu.memory_space<vmem>>, vector<16xi32>,
    %swap3A_346 = vector.shape_cast %swap3A_345 : vector<16xi32> to vector<16xi32>
    %swap3A_347 = vector.shape_cast %add3A_343 : vector<16xi32> to vector<16xi32>
    tpu.vector_store %arg11[%swap3A_344], %swap3A_347 {strides = array<i32>} : memref<256xi32, #tpu.memory_space<vmem>>, vector<16xi32>,
    %get3A_348 = arith.constant 7 : i32
    %get3A_349 = arith.index_cast %get3A_348 : i32 to index
    %get3A_350 = arith.constant 0 : index
    %get3A_351 = tpu.vector_load %arg10[%get3A_349, %get3A_350] {strides = array<i32>} : memref<8x64xf32, #tpu.memory_space<vmem>>, vector<1x16xf32>,
    %get3A_352 = vector.shape_cast %get3A_351 : vector<1x16xf32> to vector<16xf32>
    %swap3A_353 = arith.constant 224 : index
    %swap3A_354 = tpu.vector_load %arg13[%swap3A_353] {strides = array<i32>} : memref<256xf32, #tpu.memory_space<vmem>>, vector<16xf32>,
    %swap3A_355 = vector.shape_cast %swap3A_354 : vector<16xf32> to vector<16xf32>
    %swap3A_356 = vector.shape_cast %get3A_352 : vector<16xf32> to vector<16xf32>
    tpu.vector_store %arg13[%swap3A_353], %swap3A_356 {strides = array<i32>} : memref<256xf32, #tpu.memory_space<vmem>>, vector<16xf32>,
    %get3A_357 = arith.constant 7 : i32
    %get3A_358 = arith.index_cast %get3A_357 : i32 to index
    %get3A_359 = arith.constant 16 : index
    %get3A_360 = tpu.vector_load %arg9[%get3A_358, %get3A_359] {strides = array<i32>} : memref<8x64xi32, #tpu.memory_space<vmem>>, vector<1x16xi32>,
    %get3A_361 = vector.shape_cast %get3A_360 : vector<1x16xi32> to vector<16xi32>
    %mul3A_362 = arith.constant 100000 : i32
    %mul3A_363 = arith.muli %add3A_334, %mul3A_362 : i32
    %add3A_364 = vector.broadcast %mul3A_363 : i32 to vector<16xi32>
    %add3A_365 = arith.addi %get3A_361, %add3A_364 : vector<16xi32>
    %swap3A_366 = arith.constant 240 : index
    %swap3A_367 = tpu.vector_load %arg11[%swap3A_366] {strides = array<i32>} : memref<256xi32, #tpu.memory_space<vmem>>, vector<16xi32>,
    %swap3A_368 = vector.shape_cast %swap3A_367 : vector<16xi32> to vector<16xi32>
    %swap3A_369 = vector.shape_cast %add3A_365 : vector<16xi32> to vector<16xi32>
    tpu.vector_store %arg11[%swap3A_366], %swap3A_369 {strides = array<i32>} : memref<256xi32, #tpu.memory_space<vmem>>, vector<16xi32>,
    %get3A_370 = arith.constant 7 : i32
    %get3A_371 = arith.index_cast %get3A_370 : i32 to index
    %get3A_372 = arith.constant 16 : index
    %get3A_373 = tpu.vector_load %arg10[%get3A_371, %get3A_372] {strides = array<i32>} : memref<8x64xf32, #tpu.memory_space<vmem>>, vector<1x16xf32>,
    %get3A_374 = vector.shape_cast %get3A_373 : vector<1x16xf32> to vector<16xf32>
    %swap3A_375 = arith.constant 240 : index
    %swap3A_376 = tpu.vector_load %arg13[%swap3A_375] {strides = array<i32>} : memref<256xf32, #tpu.memory_space<vmem>>, vector<16xf32>,
    %swap3A_377 = vector.shape_cast %swap3A_376 : vector<16xf32> to vector<16xf32>
    %swap3A_378 = vector.shape_cast %get3A_374 : vector<16xf32> to vector<16xf32>
    tpu.vector_store %arg13[%swap3A_375], %swap3A_378 {strides = array<i32>} : memref<256xf32, #tpu.memory_space<vmem>>, vector<16xf32>,
    %dma_start3A_379 = arith.constant 0 : i32
    %dma_start3A_380 = tpu.memref_slice %arg2[%dma_start3A_379] : memref<25600000xf32, #tpu.memory_space<hbm>> -> memref<25600000xf32, #tpu.memory_space<hbm>>
    tpu.enqueue_indirect_dma source(%dma_start3A_380 : memref<25600000xf32, #tpu.memory_space<hbm>>) target(%arg12 : memref<256xf32, #tpu.memory_space<vmem>>) offsets(%arg11 : memref<256xi32, #tpu.memory_space<vmem>>) semaphore(%arg14 : memref<!tpu.dma_semaphore, #tpu.memory_space<semaphore_mem>>)
    %dma_wait3A_381 = arith.constant 0 : i32
    %dma_wait3A_382 = tpu.memref_slice %arg2[%dma_wait3A_381] : memref<25600000xf32, #tpu.memory_space<hbm>> -> memref<25600000xf32, #tpu.memory_space<hbm>>
    tpu.wait_indirect_dma semaphore(%arg14 : memref<!tpu.dma_semaphore, #tpu.memory_space<semaphore_mem>>) src(%dma_wait3A_382 : memref<25600000xf32, #tpu.memory_space<hbm>>) dst(%arg12 : memref<256xf32, #tpu.memory_space<vmem>>)
    %mul3A_383 = arith.constant 32 : i32
    %mul3A_384 = arith.muli %mul3A_2, %mul3A_383 : i32
    "tpu.region"() ({
      %run_scoped3A = tpu.sem_alloc : memref<!tpu.dma_semaphore, #tpu.memory_space<semaphore_mem>>
      %dma_start3A_387 = tpu.memref_slice %arg6[%mul3A_384] : memref<8192xf32, #tpu.memory_space<hbm>> -> memref<256xf32, #tpu.memory_space<hbm>>
      %dma_start3A_388 = tpu.memref_slice %arg6[%mul3A_384] : memref<8192xf32, #tpu.memory_space<hbm>> -> memref<256xf32, #tpu.memory_space<hbm>>
      tpu.enqueue_dma source(%arg12 : memref<256xf32, #tpu.memory_space<vmem>>) target(%dma_start3A_388 : memref<256xf32, #tpu.memory_space<hbm>>) target_semaphore(%run_scoped3A : memref<!tpu.dma_semaphore, #tpu.memory_space<semaphore_mem>>)
      %dma_wait3A_389 = tpu.memref_slice %arg6[%mul3A_384] : memref<8192xf32, #tpu.memory_space<hbm>> -> memref<256xf32, #tpu.memory_space<hbm>>
      %dma_wait3A_390 = tpu.memref_slice %arg6[%mul3A_384] : memref<8192xf32, #tpu.memory_space<hbm>> -> memref<256xf32, #tpu.memory_space<hbm>>
      tpu.wait_dma2 semaphore(%run_scoped3A : memref<!tpu.dma_semaphore, #tpu.memory_space<semaphore_mem>>) src(%arg12 : memref<256xf32, #tpu.memory_space<vmem>>) dst(%dma_wait3A_390 : memref<256xf32, #tpu.memory_space<hbm>>)
      tpu.yield
    }) : () -> ()
    %mul3A_385 = arith.constant 32 : i32
    %mul3A_386 = arith.muli %mul3A_2, %mul3A_385 : i32
    "tpu.region"() ({
      %run_scoped3A = tpu.sem_alloc : memref<!tpu.dma_semaphore, #tpu.memory_space<semaphore_mem>>
      %dma_start3A_387 = tpu.memref_slice %arg7[%mul3A_386] : memref<8192xf32, #tpu.memory_space<hbm>> -> memref<256xf32, #tpu.memory_space<hbm>>
      %dma_start3A_388 = tpu.memref_slice %arg7[%mul3A_386] : memref<8192xf32, #tpu.memory_space<hbm>> -> memref<256xf32, #tpu.memory_space<hbm>>
      tpu.enqueue_dma source(%arg13 : memref<256xf32, #tpu.memory_space<vmem>>) target(%dma_start3A_388 : memref<256xf32, #tpu.memory_space<hbm>>) target_semaphore(%run_scoped3A : memref<!tpu.dma_semaphore, #tpu.memory_space<semaphore_mem>>)
      %dma_wait3A_389 = tpu.memref_slice %arg7[%mul3A_386] : memref<8192xf32, #tpu.memory_space<hbm>> -> memref<256xf32, #tpu.memory_space<hbm>>
      %dma_wait3A_390 = tpu.memref_slice %arg7[%mul3A_386] : memref<8192xf32, #tpu.memory_space<hbm>> -> memref<256xf32, #tpu.memory_space<hbm>>
      tpu.wait_dma2 semaphore(%run_scoped3A : memref<!tpu.dma_semaphore, #tpu.memory_space<semaphore_mem>>) src(%arg13 : memref<256xf32, #tpu.memory_space<vmem>>) dst(%dma_wait3A_390 : memref<256xf32, #tpu.memory_space<hbm>>)
      tpu.yield
    }) : () -> ()
    return
  }
}

module attributes {stable_mosaic.version = 14 : i64} {
  func.func @_tc_loss_body(%arg0: memref<256x32xf32, #tpu.memory_space<vmem>>, %arg1: memref<256x32xf32, #tpu.memory_space<vmem>>, %arg2: memref<256x1xf32, #tpu.memory_space<vmem>>, %arg3: memref<1x1xf32, #tpu.memory_space<smem>>) attributes {dimension_semantics = [], scalar_prefetch = 0 : i64, scratch_operands = 0 : i64, tpu.core_type = #tpu.core_type<tc>} {
    %get3A = arith.constant 0 : index
    %get3A_0 = arith.constant 0 : index
    %get3A_1 = vector.load %arg0[%get3A, %get3A_0] : memref<256x32xf32, #tpu.memory_space<vmem>>, vector<256x32xf32>
    %get3A_2 = arith.constant 0 : index
    %get3A_3 = arith.constant 0 : index
    %get3A_4 = vector.load %arg1[%get3A_2, %get3A_3] : memref<256x32xf32, #tpu.memory_space<vmem>>, vector<256x32xf32>
    %get3A_5 = arith.constant 0 : index
    %get3A_6 = arith.constant 0 : index
    %get3A_7 = vector.load %arg2[%get3A_5, %get3A_6] : memref<256x1xf32, #tpu.memory_space<vmem>>, vector<256x1xf32>
    %reduce_sum3A = arith.constant dense<0.000000e+00> : vector<256xf32>
    %reduce_sum3A_8 = vector.multi_reduction <add>, %get3A_4, %reduce_sum3A [1] : vector<256x32xf32> to vector<256xf32>
    %broadcast_in_dim3A = vector.shape_cast %reduce_sum3A_8 : vector<256xf32> to vector<256x1xf32>
    %div3A = vector.broadcast %broadcast_in_dim3A : vector<256x1xf32> to vector<256x32xf32>
    %div3A_9 = arith.divf %get3A_4, %div3A : vector<256x32xf32>
    %mul3A = vector.broadcast %get3A_7 : vector<256x1xf32> to vector<256x32xf32>
    %mul3A_10 = arith.mulf %div3A_9, %mul3A : vector<256x32xf32>
    %reduce_max3A = arith.constant dense<0xFF800000> : vector<256xf32>
    %reduce_max3A_11 = vector.multi_reduction <maximumf>, %get3A_1, %reduce_max3A [1] : vector<256x32xf32> to vector<256xf32>
    %broadcast_in_dim3A_12 = vector.shape_cast %reduce_max3A_11 : vector<256xf32> to vector<256x1xf32>
    %sub3A = vector.broadcast %broadcast_in_dim3A_12 : vector<256x1xf32> to vector<256x32xf32>
    %sub3A_13 = arith.subf %get3A_1, %sub3A : vector<256x32xf32>
    %exp3A = math.exp %sub3A_13 : vector<256x32xf32>
    %reduce_sum3A_14 = arith.constant dense<0.000000e+00> : vector<256xf32>
    %reduce_sum3A_15 = vector.multi_reduction <add>, %exp3A, %reduce_sum3A_14 [1] : vector<256x32xf32> to vector<256xf32>
    %broadcast_in_dim3A_16 = vector.shape_cast %reduce_sum3A_15 : vector<256xf32> to vector<256x1xf32>
    %log3A = math.log %broadcast_in_dim3A_16 : vector<256x1xf32>
    %add3A = arith.addf %log3A, %broadcast_in_dim3A_12 : vector<256x1xf32>
    %sub3A_17 = vector.broadcast %add3A : vector<256x1xf32> to vector<256x32xf32>
    %sub3A_18 = arith.subf %get3A_1, %sub3A_17 : vector<256x32xf32>
    %gt3A = arith.constant 0.000000e+00 : f32
    %gt3A_19 = vector.broadcast %gt3A : f32 to vector<256x32xf32>
    %gt3A_20 = arith.cmpf ogt, %mul3A_10, %gt3A_19 : vector<256x32xf32>
    %log3A_21 = math.log %mul3A_10 : vector<256x32xf32>
    %mul3A_22 = arith.mulf %mul3A_10, %log3A_21 : vector<256x32xf32>
    %jit3A = arith.constant 0.000000e+00 : f32
    %broadcast_in_dim3A_23 = vector.broadcast %jit3A : f32 to vector<256x32xf32>
    %select_n3A = arith.select %gt3A_20, %mul3A_22, %broadcast_in_dim3A_23 : vector<256x32xi1>, vector<256x32xf32>
    %mul3A_24 = arith.mulf %mul3A_10, %sub3A_18 : vector<256x32xf32>
    %sub3A_25 = arith.subf %select_n3A, %mul3A_24 : vector<256x32xf32>
    %reduce_sum3A_26 = vector.shape_cast %sub3A_25 : vector<256x32xf32> to vector<1x256x32xf32>
    %reduce_sum3A_27 = arith.constant dense<0.000000e+00> : vector<1xf32>
    %reduce_sum3A_28 = vector.multi_reduction <add>, %reduce_sum3A_26, %reduce_sum3A_27 [1, 2] : vector<1x256x32xf32> to vector<1xf32>
    %reduce_sum3A_29 = vector.shape_cast %reduce_sum3A_28 : vector<1xf32> to vector<1x1x1xf32>
    %reduce_sum3A_30 = vector.extract %reduce_sum3A_29[0, 0, 0] : f32 from vector<1x1x1xf32>
    %swap3A = arith.constant 0 : index
    %swap3A_31 = arith.constant 0 : index
    %swap3A_32 = memref.load %arg3[%swap3A, %swap3A_31] : memref<1x1xf32, #tpu.memory_space<smem>>
    memref.store %reduce_sum3A_30, %arg3[%swap3A, %swap3A_31] : memref<1x1xf32, #tpu.memory_space<smem>>
    return
  }
}

</mosaic_0001>

<sc_bundles>
// kernel: kernel.4.cloned.1.call-start
scs
__scs_entry_jumppad:
0x0: {  	(pc) =	sbr.rel $0x88, $3  }
0x1: {  	(tag) =	ssettag $0x0;
	lr =	simm.s32 $0x1  }
0x2: {  	[smem:$0x3F9C] =	sst lr;
	_ =	strace $0xD0000000  }
0x3: {  	_ = 	snop  }
0x4: {  	_ = 	snop  }
0x5: {  	_ = 	snop  }
0x6: {  	_ = 	snop  }
0x7: {  	_ = 	snop  }
__scs_overlays_trampoline_lowered:
0x8: {  	[smem:$0x3FAB] =	sst s0  }
0x9: {  	[smem:$0x3FAC] =	sst s1  }
0xa: {  	[smem:$0x3FAD] =	sst s2  }
0xb: {  	[smem:$0x3FAE] =	sst s3  }
0xc: {  	[smem:$0x3FAF] =	sst s4  }
0xd: {  	[smem:$0x3FB0] =	sst s5  }
0xe: {  	[smem:$0x3FB1] =	sst s6  }
0xf: {  	[smem:$0x3FB2] =	sst s7  }
0x10: {  	[smem:$0x3FB3] =	sst s8  }
0x11: {  	[smem:$0x3FB4] =	sst s9;
	s0 =	simm.s32 @!p0 $0x0  }
0x12: {  	s1 =	sld [smem:$0x3F9A];
	s0 =	simm.s32 @p0 $0x1  }
0x13: {  	[smem:$0x3FB5] =	sst s0;
	s0 =	simm.s32 @!p1 $0x0  }
0x14: {  	s2 =	sld [smem:$0x3F99];
	s0 =	simm.s32 @p1 $0x1  }
0x15: {  	[smem:$0x3FB6] =	sst s0;
	s0 =	simm.s32 @!p2 $0x0  }
0x16: {  	s3 =	sld [smem:$0x3FDB];
	s0 =	simm.s32 @p2 $0x1  }
0x17: {  	s4 =	simm.s32 $0x1BF5;
	[smem:$0x3FB8] =	sst s0  }
0x18: {  	s0 =	sld [smem:$0x3F9B];
	_ =	swait.ge [sflag:s4], $0x0  }
0x19: {  	s7 =	sld [smem:$0x3F9C]  }
0x1a: {  	s8 =	sadd.s32 $0xFFFFE003, lr  }
0x1b: {  	s9 =	sadd.s32 $0xFFFFFEF7, lr;
	s5 =	simm.s32 $0xFFFFFFFF;
	p2 =	slt.u32 s8, $0xFFFFF086  }
0x1c: {  	p1 =	slt.u32 s9, $0xF7A;
	s5 =	simm.s32 @!p2 $0x0  }
0x1d: {  	s5 =	simm.s32 @p1 $0x1;
	p0 =	seq.s32 s7, s2  }
0x1e: {  	s7 =	smul.u32 @!p0 $0xF7A, s2;
	p2 =	seq.s32 @!p0 s5, $0x0  }
0x1f: {  	s9 =	smul.u32 $0xF7A, s1;
	s8 =	simm.s32 @!p0 $0x1BF5;
	p2 =	por !p2, p0  }
0x20: {  	[sflag:s8] =	ssyncset.s32 @!p0 $0xFFFFF086;
	s6 =	sadd.s32 @!p0 s3, s7;
	s7 =	simm.s32 @!p0 $0x108  }
0x21: {  	s3 =	sadd.s32 s3, s9;
	s6 =	sadd.s32 @!p0 $0x88, s6;
	s7 =	simm.s32 @p2 $0x1082  }
0x22: {  	[simem:s7], [sflag:s8] =	dma.local @!p0 [hbm:s6], $0xF7A  }
0x23: {  	s9 =	sor.u32 $0xD0000000, s2;
	s6 =	simm.s32 $0x108;
	_ =	swait.ge @!p0 [sflag:s8], $0x0  }
0x24: {  	s3 =	sadd.s32 $0x88, s3;
	s6 =	simm.s32 @!p1 $0x1082;
	[sflag:s4] =	ssyncset.s32 $0xFFFFF086  }
0x25: {  	[simem:s6], [sflag:s4] =	dma.local [hbm:s3], $0xF7A  }
0x26: {  	[smem:$0x3F9C] =	sst s1;
	(tag) =	ssettag s2;
	_ =	strace s9  }
0x27: {  	s1 =	sld [smem:$0x3FAC]  }
0x28: {  	s2 =	sld [smem:$0x3FAD]  }
0x29: {  	s4 =	sld [smem:$0x3FAF]  }
0x2a: {  	p0 =	seq.s32 s5, $0x0;
	s5 =	sld [smem:$0x3FB0]  }
0x2b: {  	s6 =	sld [smem:$0x3FB1]  }
0x2c: {  	s7 =	sld [smem:$0x3FB2]  }
0x2d: {  	s3 =	simm.s32 $0x108;
	s8 =	sld [smem:$0x3FB3]  }
0x2e: {  	s3 =	simm.s32 @!p0 $0x1082;
	s9 =	sld [smem:$0x3FB4]  }
0x2f: {  	lr =	sadd.s32 s0, s3;
	s0 =	sld [smem:$0x3FAB]  }
0x30: {  	s3 =	sld [smem:$0x3FAE]  }
0x31: {  	[smem:$0x3FB7] =	sst s10  }
0x32: {  	s10 =	sld [smem:$0x3FB5];
	_ =	sdelay $0x3  }
0x33: {  	p0 =	seq.s32 s10, $0x1;
	s10 =	sld [smem:$0x3FB7];
	_ =	sdelay $0x3  }
0x34: {  	[smem:$0x3FB7] =	sst s10  }
0x35: {  	s10 =	sld [smem:$0x3FB6];
	_ =	sdelay $0x3  }
0x36: {  	p1 =	seq.s32 s10, $0x1;
	s10 =	sld [smem:$0x3FB7];
	_ =	sdelay $0x3  }
0x37: {  	[smem:$0x3FB7] =	sst s10  }
0x38: {  	s10 =	sld [smem:$0x3FB8]  }
0x39: {  	_ = 	snop;
	(pc) =	sbr.ind lr, $3  }
0x3a: {  	_ = 	snop  }
0x3b: {  	_ = 	snop  }
0x3c: {  	p2 =	seq.s32 s10, $0x1;
	s10 =	sld [smem:$0x3FB7]  }
0x3d: {  	_ =	shalt  }
0x3e: {  	_ =	shalt  }
0x3f: {  	_ =	shalt  }
0x40: {  	_ =	shalt  }
0x41: {  	_ =	shalt  }
0x42: {  	_ =	shalt  }
0x43: {  	_ =	shalt  }
0x44: {  	_ =	shalt  }
0x45: {  	_ =	shalt  }
0x46: {  	_ =	shalt  }
0x47: {  	_ =	shalt  }
0x48: {  	_ =	shalt  }
0x49: {  	_ =	shalt  }
0x4a: {  	_ =	shalt  }
0x4b: {  	_ =	shalt  }
0x4c: {  	_ =	shalt  }
0x4d: {  	_ =	shalt  }
0x4e: {  	_ =	shalt  }
0x4f: {  	_ =	shalt  }
0x50: {  	_ =	shalt  }
0x51: {  	_ =	shalt  }
0x52: {  	_ =	shalt  }
0x53: {  	_ =	shalt  }
0x54: {  	_ =	shalt  }
0x55: {  	_ =	shalt  }
0x56: {  	_ =	shalt  }
0x57: {  	_ =	shalt  }
0x58: {  	_ =	shalt  }
0x59: {  	_ =	shalt  }
0x5a: {  	_ =	shalt  }
0x5b: {  	_ =	shalt  }
0x5c: {  	_ =	shalt  }
0x5d: {  	_ =	shalt  }
0x5e: {  	_ =	shalt  }
0x5f: {  	_ =	shalt  }
0x60: {  	_ =	shalt  }
0x61: {  	_ =	shalt  }
0x62: {  	_ =	shalt  }
0x63: {  	_ =	shalt  }
0x64: {  	_ =	shalt  }
0x65: {  	_ =	shalt  }
0x66: {  	_ =	shalt  }
0x67: {  	_ =	shalt  }
0x68: {  	_ =	shalt  }
0x69: {  	_ =	shalt  }
0x6a: {  	_ =	shalt  }
0x6b: {  	_ =	shalt  }
0x6c: {  	_ =	shalt  }
0x6d: {  	_ =	shalt  }
0x6e: {  	_ =	shalt  }
0x6f: {  	_ =	shalt  }
0x70: {  	_ =	shalt  }
0x71: {  	_ =	shalt  }
0x72: {  	_ =	shalt  }
0x73: {  	_ =	shalt  }
0x74: {  	_ =	shalt  }
0x75: {  	_ =	shalt  }
0x76: {  	_ =	shalt  }
0x77: {  	_ =	shalt  }
0x78: {  	_ =	shalt  }
0x79: {  	_ =	shalt  }
0x7a: {  	_ =	shalt  }
0x7b: {  	_ =	shalt  }
0x7c: {  	_ =	shalt  }
0x7d: {  	_ =	shalt  }
0x7e: {  	_ =	shalt  }
0x7f: {  	_ =	shalt  }
0x80: {  	_ =	shalt  }
0x81: {  	_ =	shalt  }
0x82: {  	_ =	shalt  }
0x83: {  	_ =	shalt  }
0x84: {  	_ =	shalt  }
0x85: {  	_ =	shalt  }
0x86: {  	_ =	shalt  }
0x87: {  	_ =	shalt  }
.Lfunc_end0:
.L_simem_size_0:
called_computation_lowered:
.L_overlay_start_0:
0x88: {  	s2 =	sld [smem:$0x3FD9]  }
0x89: {  	s3 =	sld [smem:$0x3FFE];
	_ =	sdelay $0x1  }
0x8a: {  	s1 =	srdreg.scid  }
0x8b: {  	s0 =	sand.u32 $0x1, s1  }
0x8c: {  	s16 =	sshll.u32 s0, $0xA;
	s2 =	sadd.s32 s3, s2  }
0x8d: {  	s2 =	sadd.s32 s2, s16  }
0x8e: {  	[smem:$0x3FC3] =	sst s2  }
0x8f: {  	_ = 	snop  }
0x90: {  	(tm) =	ssettm $0x1  }
0x91: {  	s17 =	sld [smem:$0x3FFB];
	_ =	sdelay $0x3  }
0x92: {  	_ =	strace s17  }
0x93: {  	s2 =	sld [smem:$0x3FFC];
	_ =	sdelay $0x3  }
0x94: {  	_ =	strace s2  }
0x95: {  	s2 =	sld [smem:$0x3FFD];
	_ =	sdelay $0x3  }
0x96: {  	_ =	strace s2  }
0x97: {  	_ =	strace $0x8FFFFFFF  }
0x98: {  	s18 =	sld [smem:$0x3FDB];
	_ =	sdelay $0x1  }
0x99: {  	s19 =	simm.s32 $_scs_section_size  }
0x9a: {  	s4 =	simm.s32 $_size__tile_overlayer_lowered;
	s5 =	simm.s32 $_tile_overlayer_lowered  }
0x9b: {  	s22 =	simm.s32 $0x1BFF;
	s21 =	sshll.u32 s5, $0x1;
	s2 =	sadd.s32 s19, s18  }
0x9c: {  	s6 =	simm.s32 $0x0;
	s20 =	sshll.u32 s4, $0x1;
	s4 =	sadd.s32 s21, s2  }
0x9d: {  	[timem:s6], [sflag:s22] =	dma.local [hbm:s4], s20  }
0x9e: {  	_ =	swait.ge [sflag:s22], s20  }
0x9f: {  	s3 =	ssub.s32 $0x0, s20;
	[sflag:s22] =	ssyncset.done $0x0  }
0xa0: {  	[sflag:s22] =	ssyncadd.s32 s3;
	_ =	sdelay $0x1  }
0xa1: {  	s23 =	simm.s32 $0x1B8B  }
0xa2: {  	_ =	swait.ge [sflag:s23], $0x1  }
0xa3: {  	[sflag:s23] =	ssyncset.done $0x0  }
0xa4: {  	s25 =	simm.s32 $0x1B8E;
	s24 =	sld [smem:$0x3FFE];
	[sflag:s23] =	ssyncadd.s32 $0xFFFFFFFF  }
0xa5: {  	s26 =	simm.s32 $execute0_lowered;
	[smem:$0x3FD2] =	sst s25  }
0xa6: {  	s4 =	sshll.u32 s26, $0x1;
	_ =	strace $0x80000046;
	[dreg:$0x1] =	wrdreg $0xFFFFFFFF  }
0xa7: {  	s28 =	simm.s32 $_size_execute0_lowered;
	s2 =	sadd.s32 s2, s4;
	[dreg:$0x0] =	wrdreg $0x0  }
0xa8: {  	s4 =	sshll.u32 s28, $0x1;
	[dreg:$0x2] =	wrdreg s2  }
0xa9: {  	[dreg:$0x3] =	wrdreg s4  }
0xaa: {  	[dreg:$0x4] =	wrdreg $0xC0  }
0xab: {  	_ =	task [dreg:s6], $0x5FFFF  }
0xac: {  	[dreg:$0x1] =	wrdreg $0xFFFFFFFF  }
0xad: {  	[dreg:$0x0] =	wrdreg $0x60  }
0xae: {  	[dreg:$0x2] =	wrdreg s24  }
0xaf: {  	[dreg:$0x3] =	wrdreg $0x9  }
0xb0: {  	_ =	task.clear_ibuf [dreg:s6], $0x4FFFF;
	_ =	strace $0x90000046  }
0xb1: {  	s29 =	simm.s32 $0x9;
	_ =	strace $0x80000048  }
0xb2: {  	_ =	swait.ge [sflag:s29], $0x1  }
0xb3: {  	[sflag:s29] =	ssyncadd.s32 $0xFFFFFFFF  }
0xb4: {  	_ =	strace $0x90000048  }
0xb5: {  	_ =	sfence  }
0xb6: {  	s30 =	sld [smem:$0x0];
	_ =	sdelay $0x2  }
0xb7: {  	s31 =	sshll.u32 s1, $0xD;
	s1 =	sshrl.u32 s1, $0x2  }
0xb8: {  	s3 =	sand.u32 $0x4000, s31;
	s1 =	sadd.s32 s1, s30  }
0xb9: {  	s0 =	sor.u32 s3, s0;
	s1 =	sshll.u32 s1, $0x11  }
0xba: {  	s0 =	sor.u32 s1, s0  }
0xbb: {  	s0 =	sadd.s32 $0x8F2B, s0  }
0xbc: {  	[sflag:s0] =	ssyncadd.remote.s32 $0x1  }
0xbd: {  	_ =	sfence.sel $0xFFFF  }
0xbe: {  	[dreg:$0x0] =	wrdreg $0xFFFFFFFF;
	(pc) =	sbr.abs _section_cstart, $3  }
0xbf: {  	[dreg:$0x1] =	wrdreg $0xFFFFFFFF  }
0xc0: {  	_ =	task.clear_ibuf [dreg:s6], $0x2FFFF;
	_ =	strace $0x9FFFFFFF  }
0xc1: {  	(tm) =	ssettm $0x7FFFFFFF  }
tec
execute0_lowered:
.L_overlay_start_1:
0x0: {  	(tag) =	ssettag $0x1  }
0x1: {  	s4 =	rddreg [dreg:$0x0]  }
0x2: {  	s0 =	rddreg [dreg:$0x1]  }
0x3: {  	s3 =	srdreg.scid;
	s1 =	stileid.u32  }
0x4: {  	s2 =	simm.s32 $0x0;
	s15 =	simm.s32 $0x8;
	s16 =	simm.s32 $0x208  }
0x5: {  	p0 =	por $0x0, $0x0;
	s5 =	sand.u32 $0x1, s3;
	[smem:$0x7FF] =	sst s2  }
0x6: {  	s28 =	sshll.u32 s1, $0x1;
	s3 =	sadd.s32 $0x30FE00, s4;
	s13 =	sadd.s32 $0x189200, s4  }
0x7: {  	s12 =	sadd.s32 $0x24C800, s4;
	s6 =	sor.u32 s5, s28;
	s5 =	ssub.s32 $0x2, s5  }
0x8: {  	_ =	strace $0x80000047;
	s7 =	sadd.s32 s6, s4;
	s9 =	sshrl.u32 s5, $0x1  }
0x9: {  	s8 =	sshll.u32 s6, $0x5;
	s10 =	smul.u32 $0xC3500, s6;
	s29 =	ssub.s32 s5, s9  }
0xa: {  	s4 =	sadd.s32 s8, s4;
	s14 =	sadd.s32 $0x2600, s7;
	s21 =	smax.u32 s29, $0x1  }
0xb: {  	s7 =	simm.s32 $0x1;
	s8 =	simm.s32 $0x100;
	p1 =	sne.s32 s21, $0x1  }
.Ltmp0:
0xc: {  	s9 =	simm.s32 $0x508;
	s30 =	sadd.s32 $0x186A0, s10;
	(pc) =	sbr.rel @!p1 .LBB2_3-.Ltmp0, $4  }
0xd: {  	s31 =	sadd.s32 $0x30D40, s10;
	s11 =	sadd.s32 $0x493E0, s10;
	s17 =	sadd.s32 $0x61A80, s10  }
0xe: {  	s18 =	sadd.s32 $0x7A120, s10;
	s19 =	sadd.s32 $0x927C0, s10;
	s20 =	sadd.s32 $0xAAE60, s10;
	v0 =	vmov s10;
	v3 =	vmov s30  }
0xf: {  	s6 =	sadd.s32 $0x2C00, s4;
	s5 =	sadd.s32 $0x2800, s4;
	s4 =	simm.s32 $0x2;
	v2 =	vmov s31;
	v5 =	vmov s11;
	v1 =	vmov s17  }
0x10: {  	s10 =	simm.s32 $0x608;
	s11 =	simm.s32 $0x408;
	v4 =	vmov s18;
	v6 =	vmov s19;
	v7 =	vmov s20;
	s17 =	sadd.s32 $0xFFFFFFFF, s21  }
0x11: {  	[tilespmem:s2], [sflag:$0x2] =	stream.linear.gather [hbm4b:s14+s2], $0x8, $0x38;
	[tilespmem:$0x708] =	vst v63  }
0x12: {  	_ =	swait.ge [sflag:s4], $0x8  }
0x13: {  	[sflag:s4] =	ssyncset.done $0x0  }
0x14: {  	[sflag:s4] =	ssyncadd.s32 $0xFFFFFFF8  }
0x15: {  	[tilespmem:s15], [sflag:$0x1] =	stream.indirect.gather [hbm4b:s13+s15], $0x40, s2, s15, $0xb8;
	[tilespmem:$0x708] =	vst v63  }
0x16: {  	_ =	swait.ge [sflag:s7], $0x200  }
0x17: {  	[sflag:s7] =	ssyncset.done $0x0  }
0x18: {  	[sflag:s7] =	ssyncadd.s32 $0xFFFFFE00  }
0x19: {  	[tilespmem:s16], [sflag:$0x1] =	stream.indirect.gather [hbm4b:s12+s15], $0x40, s2, s15, $0xb8;
	[tilespmem:$0x708] =	vst v63  }
0x1a: {  	_ =	swait.ge [sflag:s7], $0x200  }
0x1b: {  	[sflag:s7] =	ssyncset.done $0x0  }
0x1c: {  	[sflag:s7] =	ssyncadd.s32 $0xFFFFFE00  }
0x1d: {  	v9 =	vld [tilespmem:$0x348]  }
0x1e: {  	v10 =	vld [tilespmem:$0x1C8]  }
0x1f: {  	v11 =	vld [tilespmem:$0x8]  }
0x20: {  	v12 =	vld [tilespmem:$0x398]  }
0x21: {  	v13 =	vld [tilespmem:$0x2D8]  }
0x22: {  	v14 =	vld [tilespmem:$0x298]  }
0x23: {  	v15 =	vld [tilespmem:$0x308]  }
0x24: {  	[tilespmem:$0x6A8] =	vst v9;
	v9 =	vld [tilespmem:$0x218]  }
0x25: {  	[tilespmem:$0x6D8] =	vst v12;
	v12 =	vld [tilespmem:$0x388]  }
0x26: {  	[tilespmem:$0x678] =	vst v13;
	v13 =	vld [tilespmem:$0x3D8]  }
0x27: {  	[tilespmem:$0x658] =	vst v14;
	v14 =	vld [tilespmem:$0x1D8]  }
0x28: {  	v10 =	vadd.s32 v7, v10;
	[tilespmem:$0x688] =	vst v15;
	v15 =	vld [tilespmem:$0x98]  }
0x29: {  	v11 =	vadd.s32 v0, v11;
	[tilespmem:$0x4E8] =	vst v10;
	v10 =	vld [tilespmem:$0x2C8]  }
0x2a: {  	[tilespmem:$0x408] =	vst v11;
	v11 =	vld [tilespmem:$0x318]  }
0x2b: {  	[tilespmem:$0x618] =	vst v9;
	v9 =	vld [tilespmem:$0x158]  }
0x2c: {  	[tilespmem:$0x6F8] =	vst v13;
	v13 =	vld [tilespmem:$0xC8];
	_ =	sdelay $0x1  }
0x2d: {  	v8 =	vld [tilespmem:$0x88];
	[tilespmem:$0x6C8] =	vst v12  }
0x2e: {  	[tilespmem:$0x668] =	vst v10;
	v10 =	vld [tilespmem:$0x198]  }
0x2f: {  	[tilespmem:$0x698] =	vst v11;
	v11 =	vld [tilespmem:$0x58];
	v9 =	vadd.s32 v4, v9  }
0x30: {  	v13 =	vadd.s32 v5, v13;
	[tilespmem:$0x4B8] =	vst v9;
	v9 =	vadd.s32 v7, v14;
	v14 =	vadd.s32 v2, v15;
	v15 =	vld [tilespmem:$0xD8]  }
0x31: {  	v12 =	vld [tilespmem:$0x188];
	[tilespmem:$0x468] =	vst v13  }
0x32: {  	v13 =	vld [tilespmem:$0x358];
	[tilespmem:$0x4F8] =	vst v9  }
0x33: {  	v10 =	vadd.s32 v6, v10;
	[tilespmem:$0x458] =	vst v14;
	v9 =	vld [tilespmem:$0x108]  }
0x34: {  	v11 =	vadd.s32 v3, v11;
	v14 =	vld [tilespmem:$0x148];
	[tilespmem:$0x4D8] =	vst v10  }
0x35: {  	v10 =	vld [tilespmem:$0x48];
	[tilespmem:$0x438] =	vst v11;
	v11 =	vadd.s32 v5, v15  }
0x36: {  	v12 =	vadd.s32 v6, v12;
	[tilespmem:$0x478] =	vst v11;
	v11 =	vld [tilespmem:$0x3C8]  }
0x37: {  	[tilespmem:$0x4C8] =	vst v12;
	v12 =	vld [tilespmem:$0x118]  }
0x38: {  	v15 =	vld [tilespmem:$0x208];
	[tilespmem:$0x6B8] =	vst v13;
	v9 =	vadd.s32 v1, v9  }
0x39: {  	p1 =	sne.s32 s17, $0x1;
	[tilespmem:$0x488] =	vst v9;
	v9 =	vadd.s32 v4, v14;
	v14 =	vld [tilespmem:$0x258]  }
.Ltmp1:
0x3a: {  	[tilespmem:$0x4A8] =	vst v9;
	v9 =	vld [tilespmem:$0x18];
	(pc) =	sbr.rel @!p1 .LBB2_3-.Ltmp1, $4  }
0x3b: {  	v10 =	vadd.s32 v3, v10;
	[tilespmem:$0x6E8] =	vst v11;
	v11 =	vld [tilespmem:$0x248]  }
0x3c: {  	[tilespmem:$0x428] =	vst v10;
	v10 =	vadd.s32 v1, v12;
	v12 =	vld [tilespmem:$0x288]  }
0x3d: {  	[tilespmem:$0x608] =	vst v15  }
0x3e: {  	s17 =	sadd.s32 $0xFFFFFFFF, s17;
	p0 =	por $0x1, $0x1;
	v8 =	vadd.s32 v2, v8;
	[tilespmem:$0x638] =	vst v14  }
.LBB2_2:
0x3f: {  	p1 =	sne.s32 s17, $0x1;
	s17 =	sadd.s32 $0xFFFFFFFF, s17;
	[tilespmem:$0x448] =	vst v8  }
0x40: {  	v8 =	vadd.s32 v0, v9;
	[tilespmem:$0x628] =	vst v11  }
0x41: {  	[tilespmem:$0x648] =	vst v12  }
0x42: {  	[tilespmem:$0x418] =	vst v8  }
0x43: {  	[tilespmem:$0x498] =	vst v10  }
0x44: {  	[tilespmem:s9], [sflag:$0x1] =	stream.indirect.gather [hbm4b:s3+s8], $0x1, s11, s8, $0xb8;
	[tilespmem:$0x708] =	vst v63  }
0x45: {  	_ =	swait.ge [sflag:s7], $0x100  }
0x46: {  	[sflag:s7] =	ssyncset.done $0x0  }
0x47: {  	[sflag:s7] =	ssyncadd.s32 $0xFFFFFF00  }
0x48: {  	[hbm4b:s6+s2] =	stream.linear.scatter [tilespmem:s9], [sflag:$0x2], $0x100, $0x38;
	[tilespmem:$0x708] =	vst v63  }
0x49: {  	_ =	swait.ge [sflag:s4], $0x100  }
0x4a: {  	[sflag:s4] =	ssyncset.done $0x0  }
0x4b: {  	[sflag:s4] =	ssyncadd.s32 $0xFFFFFF00  }
0x4c: {  	[hbm4b:s5+s2] =	stream.linear.scatter [tilespmem:s10], [sflag:$0x2], $0x100, $0x38;
	[tilespmem:$0x708] =	vst v63  }
0x4d: {  	_ =	swait.ge [sflag:s4], $0x100  }
0x4e: {  	[sflag:s4] =	ssyncset.done $0x0  }
0x4f: {  	[sflag:s4] =	ssyncadd.s32 $0xFFFFFF00  }
0x50: {  	[tilespmem:s2], [sflag:$0x2] =	stream.linear.gather [hbm4b:s14+s2], $0x8, $0x38;
	[tilespmem:$0x708] =	vst v63  }
0x51: {  	_ =	swait.ge [sflag:s4], $0x8  }
0x52: {  	[sflag:s4] =	ssyncset.done $0x0  }
0x53: {  	[sflag:s4] =	ssyncadd.s32 $0xFFFFFFF8  }
0x54: {  	[tilespmem:s15], [sflag:$0x1] =	stream.indirect.gather [hbm4b:s13+s15], $0x40, s2, s15, $0xb8;
	[tilespmem:$0x708] =	vst v63  }
0x55: {  	_ =	swait.ge [sflag:s7], $0x200  }
0x56: {  	[sflag:s7] =	ssyncset.done $0x0  }
0x57: {  	[sflag:s7] =	ssyncadd.s32 $0xFFFFFE00  }
0x58: {  	[tilespmem:s16], [sflag:$0x1] =	stream.indirect.gather [hbm4b:s12+s15], $0x40, s2, s15, $0xb8;
	[tilespmem:$0x708] =	vst v63  }
0x59: {  	_ =	swait.ge [sflag:s7], $0x200  }
0x5a: {  	[sflag:s7] =	ssyncset.done $0x0  }
0x5b: {  	[sflag:s7] =	ssyncadd.s32 $0xFFFFFE00  }
0x5c: {  	v8 =	vld [tilespmem:$0x88]  }
0x5d: {  	v9 =	vld [tilespmem:$0x348]  }
0x5e: {  	v10 =	vld [tilespmem:$0x1C8]  }
0x5f: {  	v11 =	vld [tilespmem:$0x8]  }
0x60: {  	v12 =	vld [tilespmem:$0x398]  }
0x61: {  	v13 =	vld [tilespmem:$0x2D8]  }
0x62: {  	v14 =	vld [tilespmem:$0x298];
	[tilespmem:$0x6A8] =	vst v9  }
0x63: {  	v9 =	vld [tilespmem:$0x218];
	v10 =	vadd.s32 v7, v10  }
0x64: {  	v11 =	vadd.s32 v0, v11;
	v15 =	vld [tilespmem:$0x308];
	[tilespmem:$0x4E8] =	vst v10  }
0x65: {  	v10 =	vld [tilespmem:$0x2C8];
	[tilespmem:$0x6D8] =	vst v12  }
0x66: {  	[tilespmem:$0x678] =	vst v13;
	v12 =	vld [tilespmem:$0x388]  }
0x67: {  	v8 =	vadd.s32 v2, v8;
	[tilespmem:$0x658] =	vst v14;
	v13 =	vld [tilespmem:$0x3D8]  }
0x68: {  	[tilespmem:$0x408] =	vst v11;
	v11 =	vld [tilespmem:$0x318]  }
0x69: {  	[tilespmem:$0x618] =	vst v9;
	v9 =	vld [tilespmem:$0x158]  }
0x6a: {  	[tilespmem:$0x688] =	vst v15;
	v14 =	vld [tilespmem:$0x1D8]  }
0x6b: {  	v15 =	vld [tilespmem:$0x98];
	[tilespmem:$0x668] =	vst v10  }
0x6c: {  	[tilespmem:$0x6C8] =	vst v12;
	v10 =	vld [tilespmem:$0x198]  }
0x6d: {  	v12 =	vld [tilespmem:$0x188];
	[tilespmem:$0x6F8] =	vst v13  }
0x6e: {  	v13 =	vld [tilespmem:$0xC8];
	[tilespmem:$0x698] =	vst v11;
	v9 =	vadd.s32 v4, v9  }
0x6f: {  	v11 =	vld [tilespmem:$0x58];
	[tilespmem:$0x4B8] =	vst v9;
	v9 =	vadd.s32 v7, v14  }
0x70: {  	v14 =	vadd.s32 v2, v15;
	v15 =	vld [tilespmem:$0xD8];
	[tilespmem:$0x4F8] =	vst v9  }
0x71: {  	[tilespmem:$0x458] =	vst v14;
	v9 =	vld [tilespmem:$0x108];
	v10 =	vadd.s32 v6, v10  }
0x72: {  	v14 =	vld [tilespmem:$0x148];
	v12 =	vadd.s32 v6, v12;
	[tilespmem:$0x4D8] =	vst v10  }
0x73: {  	v10 =	vld [tilespmem:$0x48];
	v13 =	vadd.s32 v5, v13;
	[tilespmem:$0x4C8] =	vst v12  }
0x74: {  	v11 =	vadd.s32 v3, v11;
	[tilespmem:$0x468] =	vst v13;
	v12 =	vld [tilespmem:$0x118]  }
0x75: {  	[tilespmem:$0x438] =	vst v11;
	v11 =	vadd.s32 v5, v15;
	v13 =	vld [tilespmem:$0x358]  }
0x76: {  	[tilespmem:$0x478] =	vst v11;
	v9 =	vadd.s32 v1, v9;
	v15 =	vld [tilespmem:$0x3C8]  }
0x77: {  	v16 =	vld [tilespmem:$0x208];
	[tilespmem:$0x488] =	vst v9;
	v9 =	vadd.s32 v4, v14  }
0x78: {  	v10 =	vadd.s32 v3, v10;
	v14 =	vld [tilespmem:$0x258];
	[tilespmem:$0x4A8] =	vst v9  }
.Ltmp2:
0x79: {  	v9 =	vld [tilespmem:$0x18];
	[tilespmem:$0x428] =	vst v10;
	v10 =	vadd.s32 v1, v12;
	(pc) =	sbr.rel @p1 .LBB2_2-.Ltmp2, $4  }
0x7a: {  	v11 =	vld [tilespmem:$0x248];
	[tilespmem:$0x6B8] =	vst v13  }
0x7b: {  	v12 =	vld [tilespmem:$0x288];
	[tilespmem:$0x6E8] =	vst v15  }
0x7c: {  	[tilespmem:$0x608] =	vst v16  }
0x7d: {  	[tilespmem:$0x638] =	vst v14  }
.LBB2_3:
0x7e: {  	[tilespmem:$0x448] =	vst @p0 v8  }
0x7f: {  	[tilespmem:$0x498] =	vst @p0 v10  }
0x80: {  	v8 =	vadd.s32 @p0 v0, v9;
	[tilespmem:$0x628] =	vst @p0 v11  }
0x81: {  	[tilespmem:$0x418] =	vst @p0 v8  }
0x82: {  	[tilespmem:$0x648] =	vst @p0 v12  }
0x83: {  	[tilespmem:s9], [sflag:$0x1] =	stream.indirect.gather @p0 [hbm4b:s3+s8], $0x1, s11, s8, $0xb8;
	[tilespmem:$0x708] =	vst v63  }
0x84: {  	_ =	swait.ge @p0 [sflag:s7], $0x100  }
0x85: {  	[sflag:s7] =	ssyncset.done @p0 $0x0  }
0x86: {  	[sflag:s7] =	ssyncadd.s32 @p0 $0xFFFFFF00  }
0x87: {  	[hbm4b:s6+s2] =	stream.linear.scatter @p0 [tilespmem:s9], [sflag:$0x2], $0x100, $0x38;
	[tilespmem:$0x708] =	vst v63  }
0x88: {  	_ =	swait.ge @p0 [sflag:s4], $0x100  }
0x89: {  	[sflag:s4] =	ssyncset.done @p0 $0x0  }
0x8a: {  	[sflag:s4] =	ssyncadd.s32 @p0 $0xFFFFFF00  }
0x8b: {  	[hbm4b:s5+s2] =	stream.linear.scatter @p0 [tilespmem:s10], [sflag:$0x2], $0x100, $0x38;
	[tilespmem:$0x708] =	vst v63  }
0x8c: {  	_ =	swait.ge @p0 [sflag:s4], $0x100  }
0x8d: {  	[sflag:s4] =	ssyncset.done @p0 $0x0  }
0x8e: {  	[sflag:s4] =	ssyncadd.s32 @p0 $0xFFFFFF00  }
0x8f: {  	[tilespmem:s2], [sflag:$0x2] =	stream.linear.gather [hbm4b:s14+s2], $0x8, $0x38;
	[tilespmem:$0x708] =	vst v63  }
0x90: {  	_ =	swait.ge [sflag:s4], $0x8  }
0x91: {  	[sflag:s4] =	ssyncset.done $0x0  }
0x92: {  	[sflag:s4] =	ssyncadd.s32 $0xFFFFFFF8  }
0x93: {  	[tilespmem:s15], [sflag:$0x1] =	stream.indirect.gather [hbm4b:s13+s15], $0x40, s2, s15, $0xb8;
	[tilespmem:$0x708] =	vst v63  }
0x94: {  	_ =	swait.ge [sflag:s7], $0x200  }
0x95: {  	[sflag:s7] =	ssyncset.done $0x0  }
0x96: {  	[sflag:s7] =	ssyncadd.s32 $0xFFFFFE00  }
0x97: {  	[tilespmem:s16], [sflag:$0x1] =	stream.indirect.gather [hbm4b:s12+s15], $0x40, s2, s15, $0xb8;
	[tilespmem:$0x708] =	vst v63  }
0x98: {  	_ =	swait.ge [sflag:s7], $0x200  }
0x99: {  	[sflag:s7] =	ssyncset.done $0x0  }
0x9a: {  	[sflag:s7] =	ssyncadd.s32 $0xFFFFFE00  }
0x9b: {  	v22 =	vld [tilespmem:$0x348]  }
0x9c: {  	v23 =	vld [tilespmem:$0x1C8]  }
0x9d: {  	v25 =	vld [tilespmem:$0x398]  }
0x9e: {  	v26 =	vld [tilespmem:$0x2D8]  }
0x9f: {  	v13 =	vld [tilespmem:$0x298]  }
0xa0: {  	v27 =	vld [tilespmem:$0x218]  }
0xa1: {  	v14 =	vld [tilespmem:$0x308];
	[tilespmem:$0x6A8] =	vst v22  }
0xa2: {  	v28 =	vld [tilespmem:$0x2C8];
	[tilespmem:$0x6D8] =	vst v25  }
0xa3: {  	v29 =	vld [tilespmem:$0x388];
	[tilespmem:$0x678] =	vst v26  }
0xa4: {  	v30 =	vld [tilespmem:$0x3D8];
	[tilespmem:$0x658] =	vst v13  }
0xa5: {  	v31 =	vld [tilespmem:$0x318];
	[tilespmem:$0x618] =	vst v27  }
0xa6: {  	v50 =	vld [tilespmem:$0x358];
	[tilespmem:$0x688] =	vst v14  }
0xa7: {  	v52 =	vld [tilespmem:$0x3C8];
	[tilespmem:$0x668] =	vst v28  }
0xa8: {  	v53 =	vld [tilespmem:$0x208];
	[tilespmem:$0x6C8] =	vst v29  }
0xa9: {  	v56 =	vld [tilespmem:$0x258];
	[tilespmem:$0x6F8] =	vst v30  }
0xaa: {  	v58 =	vld [tilespmem:$0x248];
	[tilespmem:$0x698] =	vst v31  }
0xab: {  	v59 =	vld [tilespmem:$0x288];
	[tilespmem:$0x6B8] =	vst v50  }
0xac: {  	v24 =	vld [tilespmem:$0x8];
	[tilespmem:$0x6E8] =	vst v52  }
0xad: {  	v32 =	vld [tilespmem:$0x158];
	[tilespmem:$0x608] =	vst v53  }
0xae: {  	v33 =	vld [tilespmem:$0x1D8];
	[tilespmem:$0x638] =	vst v56  }
0xaf: {  	v34 =	vld [tilespmem:$0x98];
	[tilespmem:$0x628] =	vst v58  }
0xb0: {  	v35 =	vld [tilespmem:$0x198];
	v9 =	vadd.s32 v7, v23;
	[tilespmem:$0x648] =	vst v59  }
0xb1: {  	v36 =	vld [tilespmem:$0x188];
	v10 =	vadd.s32 v0, v24;
	[tilespmem:$0x4E8] =	vst v9  }
0xb2: {  	v37 =	vld [tilespmem:$0xC8];
	v8 =	vadd.s32 v4, v32;
	[tilespmem:$0x408] =	vst v10  }
0xb3: {  	v41 =	vld [tilespmem:$0xD8];
	v39 =	vadd.s32 v7, v33;
	[tilespmem:$0x4B8] =	vst v8  }
0xb4: {  	v42 =	vld [tilespmem:$0x108];
	v40 =	vadd.s32 v2, v34;
	[tilespmem:$0x4F8] =	vst v39  }
0xb5: {  	v44 =	vld [tilespmem:$0x148];
	v43 =	vadd.s32 v6, v35;
	[tilespmem:$0x458] =	vst v40  }
0xb6: {  	v46 =	vld [tilespmem:$0x48];
	v45 =	vadd.s32 v6, v36;
	[tilespmem:$0x4D8] =	vst v43  }
0xb7: {  	v48 =	vld [tilespmem:$0x88];
	v47 =	vadd.s32 v5, v37;
	[tilespmem:$0x4C8] =	vst v45  }
0xb8: {  	v57 =	vld [tilespmem:$0x18];
	v49 =	vadd.s32 v5, v41;
	[tilespmem:$0x468] =	vst v47  }
0xb9: {  	v60 =	vld [tilespmem:$0x118];
	v51 =	vadd.s32 v1, v42;
	[tilespmem:$0x478] =	vst v49  }
0xba: {  	v38 =	vld [tilespmem:$0x58];
	v54 =	vadd.s32 v4, v44;
	[tilespmem:$0x488] =	vst v51  }
0xbb: {  	v55 =	vadd.s32 v3, v46;
	[tilespmem:$0x4A8] =	vst v54  }
0xbc: {  	v61 =	vadd.s32 v2, v48;
	[tilespmem:$0x428] =	vst v55  }
0xbd: {  	v62 =	vadd.s32 v0, v57;
	[tilespmem:$0x448] =	vst v61  }
0xbe: {  	v63 =	vadd.s32 v1, v60;
	[tilespmem:$0x418] =	vst v62  }
0xbf: {  	v10 =	vadd.s32 v3, v38;
	[tilespmem:$0x498] =	vst v63  }
0xc0: {  	[tilespmem:$0x438] =	vst v10  }
0xc1: {  	[tilespmem:s9], [sflag:$0x1] =	stream.indirect.gather [hbm4b:s3+s8], $0x1, s11, s8, $0xb8;
	[tilespmem:$0x708] =	vst v63  }
0xc2: {  	_ =	swait.ge [sflag:s7], $0x100  }
0xc3: {  	[sflag:s7] =	ssyncset.done $0x0  }
0xc4: {  	[sflag:s7] =	ssyncadd.s32 $0xFFFFFF00  }
0xc5: {  	[hbm4b:s6+s2] =	stream.linear.scatter [tilespmem:s9], [sflag:$0x2], $0x100, $0x38;
	[tilespmem:$0x708] =	vst v63  }
0xc6: {  	_ =	swait.ge [sflag:s4], $0x100  }
0xc7: {  	[sflag:s4] =	ssyncset.done $0x0  }
0xc8: {  	[sflag:s4] =	ssyncadd.s32 $0xFFFFFF00  }
0xc9: {  	[hbm4b:s5+s2] =	stream.linear.scatter [tilespmem:s10], [sflag:$0x2], $0x100, $0x38;
	[tilespmem:$0x708] =	vst v63  }
0xca: {  	_ =	swait.ge [sflag:s4], $0x100  }
0xcb: {  	[sflag:s4] =	ssyncset.done $0x0  }
0xcc: {  	[sflag:s4] =	ssyncadd.s32 $0xFFFFFF00  }
0xcd: {  	_ =	sfence.sel $0x180000  }
0xce: {  	[bflag:$0x0] =	sbarrier.arrive $0xFFFF  }
0xcf: {  	p0 =	sne.s32 s1, $0x0;
	_ =	strace $0x90000047  }
0xd0: {  	s0 =	sadd.s32 @!p0 $0x100000, s0;
	[bflag:$0x2] =	sbarrier.arrive $0xFFFF  }
0xd1: {  	[sflag:s0] =	ssyncadd.tile.s32 @!p0 $0x1;
	_ =	shalt  }
.Lfunc_end2:
_tile_overlayer_lowered:
.L_overlay_start_2:
0xd2: {  	(tag) =	ssettag $0x2  }
0xd3: {  	s0 =	rddreg [dreg:$0x0];
	s2 =	stileid.u32  }
0xd4: {  	s1 =	rddreg [dreg:$0x1];
	p0 =	sne.s32 s2, $0x0  }
0xd5: {  	s3 =	rddreg [dreg:$0x2];
	[bflag:$0x3] =	sbarrier.arrive $0xFFFF;
	s2 =	simm.s32 @!p0 $0x1C02  }
0xd6: {  	[timem:s3], [sflag:s2] =	dma.local @!p0 [hbm:s0], s1  }
0xd7: {  	s0 =	simm.s32 @!p0 $0x2  }
0xd8: {  	_ =	swait.ge @!p0 [sflag:s0], s1  }
0xd9: {  	s1 =	ssub.s32 @!p0 $0x0, s1;
	[sflag:s0] =	ssyncset.done @!p0 $0x0  }
0xda: {  	[sflag:s0] =	ssyncadd.s32 @!p0 s1  }
0xdb: {  	[bflag:$0x3] =	sbarrier.arrive $0xFFFF  }
0xdc: {  	_ =	shalt  }

</sc_bundles>
